<compile_context>
chip_gen: v7x
topology: tpu7x:2x2x1
jax: 0.10.2.dev20260603
libtpu: 0.0.44.dev20260713+nightly
codegen_flags: <defaults>
</compile_context>

<pallas_src>
import functools

import jax
import jax.numpy as jnp
from jax import lax
from jax.experimental import pallas as pl
from jax.experimental.pallas import tpu as pltpu
from jax.experimental.pallas import tpu_sc as plsc

NC = 2
NS = 16
NW = NC * NS
CH = 128
MSGW = 16


def kernel(x, edge_index, edge_attr, W1, b1, root, bconv, gamma, beta,
           Wlin, blin, Wq1, bq1, Wq2, bq2):
    N, IN = x.shape
    E, EDIM = edge_attr.shape
    HID = root.shape[1]
    OUT = Wlin.shape[0]
    HDIM = Wq1.shape[0]
    NA = Wq2.shape[0]

    src = edge_index[0]
    dst = edge_index[1]

    W1q = W1.reshape(IN, HID, EDIM).transpose(2, 1, 0).reshape(EDIM, HID * IN)
    b1q = b1.reshape(IN, HID).T.reshape(1, HID * IN)
    Wk = jnp.concatenate([W1q, b1q], axis=0)

    EPW = E // NW
    NCHUNK = EPW // CH
    TAIL = EPW - NCHUNK * CH

    mesh = plsc.VectorSubcoreMesh(core_axis_name="c", subcore_axis_name="s",
                                  num_cores=NC, num_subcores=NS)

    @functools.partial(
        pl.kernel,
        out_type=jax.ShapeDtypeStruct((E, IN), jnp.float32),
        mesh=mesh,
        scratch_types=[pltpu.VMEM((CH,), jnp.int32),
                       pltpu.VMEM((CH,), jnp.int32),
                       pltpu.VMEM((CH, IN), jnp.float32),
                       pltpu.VMEM((CH, IN), jnp.float32),
                       pltpu.VMEM((max(TAIL, 8),), jnp.int32),
                       pltpu.VMEM((max(TAIL, 8), IN), jnp.float32),
                       pltpu.SemaphoreType.DMA,
                       pltpu.SemaphoreType.DMA,
                       pltpu.SemaphoreType.DMA,
                       pltpu.SemaphoreType.DMA],
    )
    def gather_k(x_hbm, src_hbm, out_hbm, idx_a, idx_b, rows_a, rows_b,
                 idx_t, rows_t, sem_ga, sem_gb, sem_wa, sem_wb):
        wid = lax.axis_index("c") * NS + lax.axis_index("s")
        base = wid * EPW
        NPAIR = NCHUNK // 2

        def pair_body(i, c):
            off_a = base + (2 * i) * CH
            off_b = off_a + CH
            pltpu.sync_copy(src_hbm.at[pl.ds(off_a, CH)], idx_a)
            ga = pltpu.async_copy(x_hbm.at[idx_a], rows_a, sem_ga)
            pltpu.sync_copy(src_hbm.at[pl.ds(off_b, CH)], idx_b)
            ga.wait()
            gb = pltpu.async_copy(x_hbm.at[idx_b], rows_b, sem_gb)
            wa = pltpu.async_copy(rows_a, out_hbm.at[pl.ds(off_a, CH)],
                                  sem_wa)
            gb.wait()
            wb = pltpu.async_copy(rows_b, out_hbm.at[pl.ds(off_b, CH)],
                                  sem_wb)
            wa.wait()
            wb.wait()
            return c

        lax.fori_loop(0, NPAIR, pair_body, 0)
        if NCHUNK % 2:
            off = base + (NCHUNK - 1) * CH
            pltpu.sync_copy(src_hbm.at[pl.ds(off, CH)], idx_a)
            pltpu.async_copy(x_hbm.at[idx_a], rows_a, sem_ga).wait()
            pltpu.sync_copy(rows_a, out_hbm.at[pl.ds(off, CH)])
        if TAIL:
            off = base + NCHUNK * CH
            pltpu.sync_copy(src_hbm.at[pl.ds(off, TAIL)], idx_t)
            pltpu.async_copy(x_hbm.at[idx_t], rows_t, sem_ga).wait()
            pltpu.sync_copy(rows_t, out_hbm.at[pl.ds(off, TAIL)])

    x_src = gather_k(x, src)

    TE = 3200
    GE = E // TE

    sel = (jnp.arange(HID * IN)[:, None] // IN ==
           jnp.arange(MSGW)[None, :]).astype(jnp.float32)

    def edge_body(ea_ref, xs_ref, w_ref, sel_ref, out_ref):
        ea1 = jnp.concatenate(
            [ea_ref[...], jnp.ones((TE, 1), jnp.float32)], axis=1)
        P = jnp.dot(ea1, w_ref[...], preferred_element_type=jnp.float32)
        P = jnp.maximum(P, 0.0)
        xs8 = jnp.concatenate([xs_ref[...]] * HID, axis=1)
        out_ref[...] = jnp.dot(P * xs8, sel_ref[...],
                               preferred_element_type=jnp.float32)

    msg = pl.pallas_call(
        edge_body,
        grid=(GE,),
        in_specs=[pl.BlockSpec((TE, EDIM), lambda i: (i, 0)),
                  pl.BlockSpec((TE, IN), lambda i: (i, 0)),
                  pl.BlockSpec((EDIM + 1, HID * IN), lambda i: (0, 0)),
                  pl.BlockSpec((HID * IN, MSGW), lambda i: (0, 0))],
        out_specs=pl.BlockSpec((TE, MSGW), lambda i: (i, 0)),
        out_shape=jax.ShapeDtypeStruct((E, MSGW), jnp.float32),
    )(edge_attr, x_src, Wk, sel)

    NPAD = ((N + NS * 8 - 1) // (NS * 8)) * NS * 8
    SUBS = CH // 16

    @functools.partial(
        pl.kernel,
        out_type=jax.ShapeDtypeStruct((NW, NPAD * HID), jnp.float32),
        mesh=mesh,
        scratch_types=[pltpu.VMEM((CH,), jnp.int32),
                       pltpu.VMEM((CH,), jnp.int32),
                       pltpu.VMEM((CH * MSGW,), jnp.float32),
                       pltpu.VMEM((CH * MSGW,), jnp.float32),
                       pltpu.VMEM((16,), jnp.int32),
                       pltpu.VMEM((16 * MSGW,), jnp.float32),
                       pltpu.VMEM((NPAD * HID,), jnp.float32),
                       pltpu.SemaphoreType.DMA,
                       pltpu.SemaphoreType.DMA,
                       pltpu.SemaphoreType.DMA,
                       pltpu.SemaphoreType.DMA],
        compiler_params=pltpu.CompilerParams(needs_layout_passes=False),
    )
    def scatter_k(msg_hbm, dst_hbm, zero_hbm, out_hbm,
                  idx_a, idx_b, rows_a, rows_b, idx_t, rows_t, agg_v,
                  sem_ia, sem_ra, sem_ib, sem_rb):
        wid = lax.axis_index("c") * NS + lax.axis_index("s")
        pltpu.sync_copy(zero_hbm, agg_v)
        base = wid * EPW
        lanes = lax.iota(jnp.int32, 16)

        def accumulate(idx_v, rows_v):
            def sub_body(j, c2):
                rowbase = j * 16
                dsub = idx_v[pl.ds(rowbase, 16)]
                vidx = (rowbase + lanes) * MSGW
                for o in range(HID):
                    vals = plsc.load_gather(rows_v, [vidx + o])
                    plsc.addupdate_scatter(agg_v, [dsub * HID + o], vals)
                return c2

            lax.fori_loop(0, SUBS, sub_body, 0)

        NPAIR2 = NCHUNK // 2

        def pair_body(i, c):
            off_a = base + (2 * i) * CH
            off_b = off_a + CH
            ia = pltpu.async_copy(dst_hbm.at[pl.ds(off_a, CH)], idx_a,
                                  sem_ia)
            ra = pltpu.async_copy(
                msg_hbm.at[pl.ds(off_a * MSGW, CH * MSGW)], rows_a, sem_ra)
            ib = pltpu.async_copy(dst_hbm.at[pl.ds(off_b, CH)], idx_b,
                                  sem_ib)
            rb = pltpu.async_copy(
                msg_hbm.at[pl.ds(off_b * MSGW, CH * MSGW)], rows_b, sem_rb)
            ia.wait()
            ra.wait()
            accumulate(idx_a, rows_a)
            ib.wait()
            rb.wait()
            accumulate(idx_b, rows_b)
            return c

        lax.fori_loop(0, NPAIR2, pair_body, 0)
        if NCHUNK % 2:
            off = base + (NCHUNK - 1) * CH
            pltpu.sync_copy(dst_hbm.at[pl.ds(off, CH)], idx_a)
            pltpu.sync_copy(msg_hbm.at[pl.ds(off * MSGW, CH * MSGW)], rows_a)
            accumulate(idx_a, rows_a)
        if TAIL:
            off = base + NCHUNK * CH
            idx_t[...] = jnp.zeros((16,), jnp.int32)
            pltpu.sync_copy(dst_hbm.at[pl.ds(off, TAIL)],
                            idx_t.at[pl.ds(0, TAIL)])
            pltpu.sync_copy(msg_hbm.at[pl.ds(off * MSGW, TAIL * MSGW)],
                            rows_t.at[pl.ds(0, TAIL * MSGW)])
            dsub = idx_t[...]
            tmask = lanes < TAIL
            for o in range(HID):
                vals = plsc.load_gather(rows_t, [lanes * MSGW + o])
                plsc.addupdate_scatter(agg_v, [dsub * HID + o], vals,
                                       mask=tmask)
        pltpu.sync_copy(agg_v, out_hbm.at[wid])

    aggall = scatter_k(msg.reshape(E * MSGW), dst,
                       jnp.zeros((NPAD * HID,), jnp.float32))
    aggall = aggall.reshape(NW, NPAD, HID)

    TN = 1000
    GN = N // TN
    prm = jnp.zeros((8, 64), jnp.float32)
    prm = (prm.at[0, :HID].set(bconv).at[1, :HID].set(gamma)
              .at[2, :HID].set(beta).at[3, :OUT].set(blin)
              .at[4, :HDIM].set(bq1).at[5, :NA].set(bq2))

    def node_body(ag_ref, x_ref, root_ref, wlin_ref, wq1_ref,
                  wq2_ref, prm_ref, out_ref):
        p = prm_ref[...]
        agg = jnp.sum(ag_ref[...], axis=0)
        h = agg + jnp.dot(x_ref[...], root_ref[...],
                          preferred_element_type=jnp.float32) + p[0:1, :HID]
        mu = jnp.mean(h, axis=1, keepdims=True)
        var = jnp.mean((h - mu) ** 2, axis=1, keepdims=True)
        h = (h - mu) * lax.rsqrt(var + 1e-5) * p[1:2, :HID] + p[2:3, :HID]
        h = jnp.maximum(h, 0.0)
        h = jnp.dot(h, wlin_ref[...],
                    preferred_element_type=jnp.float32) + p[3:4, :OUT]
        h = jnp.maximum(jnp.dot(h, wq1_ref[...],
                                preferred_element_type=jnp.float32)
                        + p[4:5, :HDIM], 0.0)
        out_ref[...] = jnp.dot(h, wq2_ref[...],
                               preferred_element_type=jnp.float32) + p[5:6, :NA]

    q = pl.pallas_call(
        node_body,
        grid=(GN,),
        in_specs=[pl.BlockSpec((NW, TN, HID), lambda i: (0, i, 0)),
                  pl.BlockSpec((TN, IN), lambda i: (i, 0)),
                  pl.BlockSpec((IN, HID), lambda i: (0, 0)),
                  pl.BlockSpec((HID, OUT), lambda i: (0, 0)),
                  pl.BlockSpec((OUT, HDIM), lambda i: (0, 0)),
                  pl.BlockSpec((HDIM, NA), lambda i: (0, 0)),
                  pl.BlockSpec((8, 64), lambda i: (0, 0))],
        out_specs=pl.BlockSpec((TN, NA), lambda i: (i, 0)),
        out_shape=jax.ShapeDtypeStruct((N, NA), jnp.float32),
    )(aggall, x, root, Wlin.T, Wq1.T, Wq2.T, prm)
    return q

# --- scband reference (transcript-rebuilt; emitter-appended) ---
"""Pipeline reference for scband-discrete-agent-16363825398403 (READ-ONLY COPY).

The authoritative reference and input builder live on the scoring server;
editing this copy changes nothing except your own understanding.
"""

import jax, jax.numpy as jnp
import numpy as np

N = 10000
E = 160000
IN = 128
EDIM = 16
HID = 8
OUT = 64
HDIM = 64
NA = 8


def setup_inputs(seed: int = 0) -> dict:
    key = jax.random.key(seed)
    ks = jax.random.split(key, 16)
    x = jax.random.normal(ks[0], (N, IN), dtype=jnp.float32)
    edge_index = jax.random.randint(ks[1], (2, E), 0, N, dtype=jnp.int32)
    edge_attr = jax.random.normal(ks[2], (E, EDIM), dtype=jnp.float32)
    # edge_nn: Linear(EDIM -> IN*HID) + ReLU
    W1 = jax.random.normal(ks[3], (IN * HID, EDIM), dtype=jnp.float32) / np.sqrt(EDIM)
    b1 = jnp.zeros((IN * HID,), dtype=jnp.float32)
    # NNConv root weight [IN, HID] and bias [HID]
    root = jax.random.normal(ks[4], (IN, HID), dtype=jnp.float32) / np.sqrt(IN)
    bconv = jnp.zeros((HID,), dtype=jnp.float32)
    # LayerNorm(HID)
    gamma = jnp.ones((HID,), dtype=jnp.float32)
    beta = jnp.zeros((HID,), dtype=jnp.float32)
    # lin: Linear(HID -> OUT)
    Wlin = jax.random.normal(ks[5], (OUT, HID), dtype=jnp.float32) / np.sqrt(HID)
    blin = jnp.zeros((OUT,), dtype=jnp.float32)
    # q_head depth=2 MLP: Linear(OUT -> HDIM), ReLU, Linear(HDIM -> NA)
    Wq1 = jax.random.normal(ks[6], (HDIM, OUT), dtype=jnp.float32) / np.sqrt(OUT)
    bq1 = jnp.zeros((HDIM,), dtype=jnp.float32)
    Wq2 = jax.random.normal(ks[7], (NA, HDIM), dtype=jnp.float32) / np.sqrt(HDIM)
    bq2 = jnp.zeros((NA,), dtype=jnp.float32)
    return {"x": x, "edge_index": edge_index, "edge_attr": edge_attr,
            "W1": W1, "b1": b1, "root": root, "bconv": bconv,
            "gamma": gamma, "beta": beta, "Wlin": Wlin, "blin": blin,
            "Wq1": Wq1, "bq1": bq1, "Wq2": Wq2, "bq2": bq2}


def reference(x, edge_index, edge_attr, W1, b1, root, bconv, gamma, beta,
              Wlin, blin, Wq1, bq1, Wq2, bq2):
    src = edge_index[0]
    dst = edge_index[1]
    # edge_nn -> per-edge weight matrix [E, IN, HID]
    we = jax.nn.relu(edge_attr @ W1.T + b1).reshape(E, IN, HID)
    # NNConv message: x_src (gather) times per-edge weight
    x_src = jnp.take(x, src, axis=0)
    msg = jnp.einsum('ei,eio->eo', x_src, we)
    # aggregate (scatter-add) at destination nodes
    agg = jax.ops.segment_sum(msg, dst, num_segments=N)
    h = agg + x @ root + bconv
    # LayerNorm
    mu = jnp.mean(h, axis=-1, keepdims=True)
    var = jnp.var(h, axis=-1, keepdims=True)
    h = (h - mu) / jnp.sqrt(var + 1e-5) * gamma + beta
    h = jax.nn.relu(h)
    h = h @ Wlin.T + blin
    # q_head MLP
    q = jax.nn.relu(h @ Wq1.T + bq1) @ Wq2.T + bq2
    return q.reshape(-1, NA)

if __name__ == "__main__":
    import jax
    _d = setup_inputs()
    print(jax.jit(kernel)(*tuple(_d.values())))

</pallas_src>

<mosaic_0001>
#map = affine_map<(d0, d1) -> (0, 0)>
#map1 = affine_map<(d0, d1) -> (0)>
module attributes {stable_mosaic.version = 14 : i64} {
  func.func @gather_k(%arg0: i32, %arg1: i32, %arg2: memref<10000x128xf32, #tpu.memory_space<hbm>>, %arg3: memref<160000xi32, #tpu.memory_space<hbm>>, %arg4: memref<160000x128xf32, #tpu.memory_space<hbm>>, %arg5: memref<128xi32, #tpu.memory_space<vmem>>, %arg6: memref<128xi32, #tpu.memory_space<vmem>>, %arg7: memref<128x128xf32, #tpu.memory_space<vmem>>, %arg8: memref<128x128xf32, #tpu.memory_space<vmem>>, %arg9: memref<8xi32, #tpu.memory_space<vmem>>, %arg10: memref<8x128xf32, #tpu.memory_space<vmem>>, %arg11: memref<!tpu.dma_semaphore, #tpu.memory_space<semaphore_mem>>, %arg12: memref<!tpu.dma_semaphore, #tpu.memory_space<semaphore_mem>>, %arg13: memref<!tpu.dma_semaphore, #tpu.memory_space<semaphore_mem>>, %arg14: memref<!tpu.dma_semaphore, #tpu.memory_space<semaphore_mem>>) attributes {dimension_semantics = [#tpu.dimension_semantics<core_parallel>, #tpu.dimension_semantics<subcore_parallel>], iteration_bounds = array<i64: 2, 16>, scalar_prefetch = 0 : i64, scratch_operands = 10 : i64, tpu.core_type = #tpu.core_type<sc_vector_subcore>, window_params = [{transform_indices = #map}, {transform_indices = #map1}, {transform_indices = #map}]} {
    %mul3A = arith.constant 16 : i32
    %mul3A_0 = arith.muli %arg0, %mul3A : i32
    %add3A = arith.addi %mul3A_0, %arg1 : i32
    %mul3A_1 = arith.constant 5000 : i32
    %mul3A_2 = arith.muli %add3A, %mul3A_1 : i32
    %scan3A = arith.constant 0 : i32
    %scan3A_3 = arith.constant 0 : i32
    %scan3A_4 = arith.constant 19 : i32
    %scan3A_5 = arith.addi %scan3A_3, %scan3A_4 : i32
    %scan3A_6 = arith.constant 1 : i32
    scf.for %scan3A_22 = %scan3A_3 to %scan3A_5 step %scan3A_6  : i32 {
      %mul3A_23 = arith.constant 2 : i32
      %mul3A_24 = arith.muli %mul3A_23, %scan3A_22 : i32
      %mul3A_25 = arith.constant 128 : i32
      %mul3A_26 = arith.muli %mul3A_24, %mul3A_25 : i32
      %add3A_27 = arith.addi %mul3A_2, %mul3A_26 : i32
      %add3A_28 = arith.constant 128 : i32
      %add3A_29 = arith.addi %add3A_27, %add3A_28 : i32
      "tpu.region"() ({
        %run_scoped3A = tpu.sem_alloc : memref<!tpu.dma_semaphore, #tpu.memory_space<semaphore_mem>>
        %dma_start3A_58 = tpu.memref_slice %arg3[%add3A_27] : memref<160000xi32, #tpu.memory_space<hbm>> -> memref<128xi32, #tpu.memory_space<hbm>>
        %dma_start3A_59 = tpu.memref_slice %arg3[%add3A_27] : memref<160000xi32, #tpu.memory_space<hbm>> -> memref<128xi32, #tpu.memory_space<hbm>>
        tpu.enqueue_dma source(%dma_start3A_59 : memref<128xi32, #tpu.memory_space<hbm>>) target(%arg5 : memref<128xi32, #tpu.memory_space<vmem>>) target_semaphore(%run_scoped3A : memref<!tpu.dma_semaphore, #tpu.memory_space<semaphore_mem>>)
        %dma_wait3A_60 = tpu.memref_slice %arg3[%add3A_27] : memref<160000xi32, #tpu.memory_space<hbm>> -> memref<128xi32, #tpu.memory_space<hbm>>
        %dma_wait3A_61 = tpu.memref_slice %arg3[%add3A_27] : memref<160000xi32, #tpu.memory_space<hbm>> -> memref<128xi32, #tpu.memory_space<hbm>>
        tpu.wait_dma2 semaphore(%run_scoped3A : memref<!tpu.dma_semaphore, #tpu.memory_space<semaphore_mem>>) src(%dma_wait3A_61 : memref<128xi32, #tpu.memory_space<hbm>>) dst(%arg5 : memref<128xi32, #tpu.memory_space<vmem>>)
        tpu.yield
      }) : () -> ()
      %dma_start3A_30 = arith.constant 0 : i32
      %dma_start3A_31 = arith.constant 0 : i32
      %dma_start3A_32 = tpu.memref_slice %arg2[%dma_start3A_30, %dma_start3A_31] : memref<10000x128xf32, #tpu.memory_space<hbm>> -> memref<10000x128xf32, #tpu.memory_space<hbm>>
      tpu.enqueue_indirect_dma source(%dma_start3A_32 : memref<10000x128xf32, #tpu.memory_space<hbm>>) target(%arg7 : memref<128x128xf32, #tpu.memory_space<vmem>>) offsets(%arg5 : memref<128xi32, #tpu.memory_space<vmem>>) semaphore(%arg11 : memref<!tpu.dma_semaphore, #tpu.memory_space<semaphore_mem>>)
      "tpu.region"() ({
        %run_scoped3A = tpu.sem_alloc : memref<!tpu.dma_semaphore, #tpu.memory_space<semaphore_mem>>
        %dma_start3A_58 = tpu.memref_slice %arg3[%add3A_29] : memref<160000xi32, #tpu.memory_space<hbm>> -> memref<128xi32, #tpu.memory_space<hbm>>
        %dma_start3A_59 = tpu.memref_slice %arg3[%add3A_29] : memref<160000xi32, #tpu.memory_space<hbm>> -> memref<128xi32, #tpu.memory_space<hbm>>
        tpu.enqueue_dma source(%dma_start3A_59 : memref<128xi32, #tpu.memory_space<hbm>>) target(%arg6 : memref<128xi32, #tpu.memory_space<vmem>>) target_semaphore(%run_scoped3A : memref<!tpu.dma_semaphore, #tpu.memory_space<semaphore_mem>>)
        %dma_wait3A_60 = tpu.memref_slice %arg3[%add3A_29] : memref<160000xi32, #tpu.memory_space<hbm>> -> memref<128xi32, #tpu.memory_space<hbm>>
        %dma_wait3A_61 = tpu.memref_slice %arg3[%add3A_29] : memref<160000xi32, #tpu.memory_space<hbm>> -> memref<128xi32, #tpu.memory_space<hbm>>
        tpu.wait_dma2 semaphore(%run_scoped3A : memref<!tpu.dma_semaphore, #tpu.memory_space<semaphore_mem>>) src(%dma_wait3A_61 : memref<128xi32, #tpu.memory_space<hbm>>) dst(%arg6 : memref<128xi32, #tpu.memory_space<vmem>>)
        tpu.yield
      }) : () -> ()
      %dma_wait3A_33 = arith.constant 0 : i32
      %dma_wait3A_34 = arith.constant 0 : i32
      %dma_wait3A_35 = tpu.memref_slice %arg2[%dma_wait3A_33, %dma_wait3A_34] : memref<10000x128xf32, #tpu.memory_space<hbm>> -> memref<10000x128xf32, #tpu.memory_space<hbm>>
      tpu.wait_indirect_dma semaphore(%arg11 : memref<!tpu.dma_semaphore, #tpu.memory_space<semaphore_mem>>) src(%dma_wait3A_35 : memref<10000x128xf32, #tpu.memory_space<hbm>>) dst(%arg7 : memref<128x128xf32, #tpu.memory_space<vmem>>)
      %dma_start3A_36 = arith.constant 0 : i32
      %dma_start3A_37 = arith.constant 0 : i32
      %dma_start3A_38 = tpu.memref_slice %arg2[%dma_start3A_36, %dma_start3A_37] : memref<10000x128xf32, #tpu.memory_space<hbm>> -> memref<10000x128xf32, #tpu.memory_space<hbm>>
      tpu.enqueue_indirect_dma source(%dma_start3A_38 : memref<10000x128xf32, #tpu.memory_space<hbm>>) target(%arg8 : memref<128x128xf32, #tpu.memory_space<vmem>>) offsets(%arg6 : memref<128xi32, #tpu.memory_space<vmem>>) semaphore(%arg12 : memref<!tpu.dma_semaphore, #tpu.memory_space<semaphore_mem>>)
      %dma_start3A_39 = arith.constant 0 : i32
      %dma_start3A_40 = tpu.memref_slice %arg4[%add3A_27, %dma_start3A_39] : memref<160000x128xf32, #tpu.memory_space<hbm>> -> memref<128x128xf32, #tpu.memory_space<hbm>>
      %dma_start3A_41 = arith.constant 0 : i32
      %dma_start3A_42 = tpu.memref_slice %arg4[%add3A_27, %dma_start3A_41] : memref<160000x128xf32, #tpu.memory_space<hbm>> -> memref<128x128xf32, #tpu.memory_space<hbm>>
      tpu.enqueue_dma source(%arg7 : memref<128x128xf32, #tpu.memory_space<vmem>>) target(%dma_start3A_42 : memref<128x128xf32, #tpu.memory_space<hbm>>) target_semaphore(%arg13 : memref<!tpu.dma_semaphore, #tpu.memory_space<semaphore_mem>>)
      %dma_wait3A_43 = arith.constant 0 : i32
      %dma_wait3A_44 = arith.constant 0 : i32
      %dma_wait3A_45 = tpu.memref_slice %arg2[%dma_wait3A_43, %dma_wait3A_44] : memref<10000x128xf32, #tpu.memory_space<hbm>> -> memref<10000x128xf32, #tpu.memory_space<hbm>>
      tpu.wait_indirect_dma semaphore(%arg12 : memref<!tpu.dma_semaphore, #tpu.memory_space<semaphore_mem>>) src(%dma_wait3A_45 : memref<10000x128xf32, #tpu.memory_space<hbm>>) dst(%arg8 : memref<128x128xf32, #tpu.memory_space<vmem>>)
      %dma_start3A_46 = arith.constant 0 : i32
      %dma_start3A_47 = tpu.memref_slice %arg4[%add3A_29, %dma_start3A_46] : memref<160000x128xf32, #tpu.memory_space<hbm>> -> memref<128x128xf32, #tpu.memory_space<hbm>>
      %dma_start3A_48 = arith.constant 0 : i32
      %dma_start3A_49 = tpu.memref_slice %arg4[%add3A_29, %dma_start3A_48] : memref<160000x128xf32, #tpu.memory_space<hbm>> -> memref<128x128xf32, #tpu.memory_space<hbm>>
      tpu.enqueue_dma source(%arg8 : memref<128x128xf32, #tpu.memory_space<vmem>>) target(%dma_start3A_49 : memref<128x128xf32, #tpu.memory_space<hbm>>) target_semaphore(%arg14 : memref<!tpu.dma_semaphore, #tpu.memory_space<semaphore_mem>>)
      %dma_wait3A_50 = arith.constant 0 : i32
      %dma_wait3A_51 = tpu.memref_slice %arg4[%add3A_27, %dma_wait3A_50] : memref<160000x128xf32, #tpu.memory_space<hbm>> -> memref<128x128xf32, #tpu.memory_space<hbm>>
      %dma_wait3A_52 = arith.constant 0 : i32
      %dma_wait3A_53 = tpu.memref_slice %arg4[%add3A_27, %dma_wait3A_52] : memref<160000x128xf32, #tpu.memory_space<hbm>> -> memref<128x128xf32, #tpu.memory_space<hbm>>
      tpu.wait_dma2 semaphore(%arg13 : memref<!tpu.dma_semaphore, #tpu.memory_space<semaphore_mem>>) src(%arg7 : memref<128x128xf32, #tpu.memory_space<vmem>>) dst(%dma_wait3A_53 : memref<128x128xf32, #tpu.memory_space<hbm>>)
      %dma_wait3A_54 = arith.constant 0 : i32
      %dma_wait3A_55 = tpu.memref_slice %arg4[%add3A_29, %dma_wait3A_54] : memref<160000x128xf32, #tpu.memory_space<hbm>> -> memref<128x128xf32, #tpu.memory_space<hbm>>
      %dma_wait3A_56 = arith.constant 0 : i32
      %dma_wait3A_57 = tpu.memref_slice %arg4[%add3A_29, %dma_wait3A_56] : memref<160000x128xf32, #tpu.memory_space<hbm>> -> memref<128x128xf32, #tpu.memory_space<hbm>>
      tpu.wait_dma2 semaphore(%arg14 : memref<!tpu.dma_semaphore, #tpu.memory_space<semaphore_mem>>) src(%arg8 : memref<128x128xf32, #tpu.memory_space<vmem>>) dst(%dma_wait3A_57 : memref<128x128xf32, #tpu.memory_space<hbm>>)
    }
    %scan3A_7 = arith.constant 19 : i32
    %add3A_8 = arith.constant 4864 : i32
    %add3A_9 = arith.addi %mul3A_2, %add3A_8 : i32
    "tpu.region"() ({
      %run_scoped3A = tpu.sem_alloc : memref<!tpu.dma_semaphore, #tpu.memory_space<semaphore_mem>>
      %dma_start3A_22 = tpu.memref_slice %arg3[%add3A_9] : memref<160000xi32, #tpu.memory_space<hbm>> -> memref<128xi32, #tpu.memory_space<hbm>>
      %dma_start3A_23 = tpu.memref_slice %arg3[%add3A_9] : memref<160000xi32, #tpu.memory_space<hbm>> -> memref<128xi32, #tpu.memory_space<hbm>>
      tpu.enqueue_dma source(%dma_start3A_23 : memref<128xi32, #tpu.memory_space<hbm>>) target(%arg5 : memref<128xi32, #tpu.memory_space<vmem>>) target_semaphore(%run_scoped3A : memref<!tpu.dma_semaphore, #tpu.memory_space<semaphore_mem>>)
      %dma_wait3A_24 = tpu.memref_slice %arg3[%add3A_9] : memref<160000xi32, #tpu.memory_space<hbm>> -> memref<128xi32, #tpu.memory_space<hbm>>
      %dma_wait3A_25 = tpu.memref_slice %arg3[%add3A_9] : memref<160000xi32, #tpu.memory_space<hbm>> -> memref<128xi32, #tpu.memory_space<hbm>>
      tpu.wait_dma2 semaphore(%run_scoped3A : memref<!tpu.dma_semaphore, #tpu.memory_space<semaphore_mem>>) src(%dma_wait3A_25 : memref<128xi32, #tpu.memory_space<hbm>>) dst(%arg5 : memref<128xi32, #tpu.memory_space<vmem>>)
      tpu.yield
    }) : () -> ()
    %dma_start3A = arith.constant 0 : i32
    %dma_start3A_10 = arith.constant 0 : i32
    %dma_start3A_11 = tpu.memref_slice %arg2[%dma_start3A, %dma_start3A_10] : memref<10000x128xf32, #tpu.memory_space<hbm>> -> memref<10000x128xf32, #tpu.memory_space<hbm>>
    tpu.enqueue_indirect_dma source(%dma_start3A_11 : memref<10000x128xf32, #tpu.memory_space<hbm>>) target(%arg7 : memref<128x128xf32, #tpu.memory_space<vmem>>) offsets(%arg5 : memref<128xi32, #tpu.memory_space<vmem>>) semaphore(%arg11 : memref<!tpu.dma_semaphore, #tpu.memory_space<semaphore_mem>>)
    %dma_wait3A = arith.constant 0 : i32
    %dma_wait3A_12 = arith.constant 0 : i32
    %dma_wait3A_13 = tpu.memref_slice %arg2[%dma_wait3A, %dma_wait3A_12] : memref<10000x128xf32, #tpu.memory_space<hbm>> -> memref<10000x128xf32, #tpu.memory_space<hbm>>
    tpu.wait_indirect_dma semaphore(%arg11 : memref<!tpu.dma_semaphore, #tpu.memory_space<semaphore_mem>>) src(%dma_wait3A_13 : memref<10000x128xf32, #tpu.memory_space<hbm>>) dst(%arg7 : memref<128x128xf32, #tpu.memory_space<vmem>>)
    "tpu.region"() ({
      %run_scoped3A = tpu.sem_alloc : memref<!tpu.dma_semaphore, #tpu.memory_space<semaphore_mem>>
      %dma_start3A_22 = arith.constant 0 : i32
      %dma_start3A_23 = tpu.memref_slice %arg4[%add3A_9, %dma_start3A_22] : memref<160000x128xf32, #tpu.memory_space<hbm>> -> memref<128x128xf32, #tpu.memory_space<hbm>>
      %dma_start3A_24 = arith.constant 0 : i32
      %dma_start3A_25 = tpu.memref_slice %arg4[%add3A_9, %dma_start3A_24] : memref<160000x128xf32, #tpu.memory_space<hbm>> -> memref<128x128xf32, #tpu.memory_space<hbm>>
      tpu.enqueue_dma source(%arg7 : memref<128x128xf32, #tpu.memory_space<vmem>>) target(%dma_start3A_25 : memref<128x128xf32, #tpu.memory_space<hbm>>) target_semaphore(%run_scoped3A : memref<!tpu.dma_semaphore, #tpu.memory_space<semaphore_mem>>)
      %dma_wait3A_26 = arith.constant 0 : i32
      %dma_wait3A_27 = tpu.memref_slice %arg4[%add3A_9, %dma_wait3A_26] : memref<160000x128xf32, #tpu.memory_space<hbm>> -> memref<128x128xf32, #tpu.memory_space<hbm>>
      %dma_wait3A_28 = arith.constant 0 : i32
      %dma_wait3A_29 = tpu.memref_slice %arg4[%add3A_9, %dma_wait3A_28] : memref<160000x128xf32, #tpu.memory_space<hbm>> -> memref<128x128xf32, #tpu.memory_space<hbm>>
      tpu.wait_dma2 semaphore(%run_scoped3A : memref<!tpu.dma_semaphore, #tpu.memory_space<semaphore_mem>>) src(%arg7 : memref<128x128xf32, #tpu.memory_space<vmem>>) dst(%dma_wait3A_29 : memref<128x128xf32, #tpu.memory_space<hbm>>)
      tpu.yield
    }) : () -> ()
    %add3A_14 = arith.constant 4992 : i32
    %add3A_15 = arith.addi %mul3A_2, %add3A_14 : i32
    "tpu.region"() ({
      %run_scoped3A = tpu.sem_alloc : memref<!tpu.dma_semaphore, #tpu.memory_space<semaphore_mem>>
      %dma_start3A_22 = tpu.memref_slice %arg3[%add3A_15] : memref<160000xi32, #tpu.memory_space<hbm>> -> memref<8xi32, #tpu.memory_space<hbm>>
      %dma_start3A_23 = tpu.memref_slice %arg3[%add3A_15] : memref<160000xi32, #tpu.memory_space<hbm>> -> memref<8xi32, #tpu.memory_space<hbm>>
      tpu.enqueue_dma source(%dma_start3A_23 : memref<8xi32, #tpu.memory_space<hbm>>) target(%arg9 : memref<8xi32, #tpu.memory_space<vmem>>) target_semaphore(%run_scoped3A : memref<!tpu.dma_semaphore, #tpu.memory_space<semaphore_mem>>)
      %dma_wait3A_24 = tpu.memref_slice %arg3[%add3A_15] : memref<160000xi32, #tpu.memory_space<hbm>> -> memref<8xi32, #tpu.memory_space<hbm>>
      %dma_wait3A_25 = tpu.memref_slice %arg3[%add3A_15] : memref<160000xi32, #tpu.memory_space<hbm>> -> memref<8xi32, #tpu.memory_space<hbm>>
      tpu.wait_dma2 semaphore(%run_scoped3A : memref<!tpu.dma_semaphore, #tpu.memory_space<semaphore_mem>>) src(%dma_wait3A_25 : memref<8xi32, #tpu.memory_space<hbm>>) dst(%arg9 : memref<8xi32, #tpu.memory_space<vmem>>)
      tpu.yield
    }) : () -> ()
    %dma_start3A_16 = arith.constant 0 : i32
    %dma_start3A_17 = arith.constant 0 : i32
    %dma_start3A_18 = tpu.memref_slice %arg2[%dma_start3A_16, %dma_start3A_17] : memref<10000x128xf32, #tpu.memory_space<hbm>> -> memref<10000x128xf32, #tpu.memory_space<hbm>>
    tpu.enqueue_indirect_dma source(%dma_start3A_18 : memref<10000x128xf32, #tpu.memory_space<hbm>>) target(%arg10 : memref<8x128xf32, #tpu.memory_space<vmem>>) offsets(%arg9 : memref<8xi32, #tpu.memory_space<vmem>>) semaphore(%arg11 : memref<!tpu.dma_semaphore, #tpu.memory_space<semaphore_mem>>)
    %dma_wait3A_19 = arith.constant 0 : i32
    %dma_wait3A_20 = arith.constant 0 : i32
    %dma_wait3A_21 = tpu.memref_slice %arg2[%dma_wait3A_19, %dma_wait3A_20] : memref<10000x128xf32, #tpu.memory_space<hbm>> -> memref<10000x128xf32, #tpu.memory_space<hbm>>
    tpu.wait_indirect_dma semaphore(%arg11 : memref<!tpu.dma_semaphore, #tpu.memory_space<semaphore_mem>>) src(%dma_wait3A_21 : memref<10000x128xf32, #tpu.memory_space<hbm>>) dst(%arg10 : memref<8x128xf32, #tpu.memory_space<vmem>>)
    "tpu.region"() ({
      %run_scoped3A = tpu.sem_alloc : memref<!tpu.dma_semaphore, #tpu.memory_space<semaphore_mem>>
      %dma_start3A_22 = arith.constant 0 : i32
      %dma_start3A_23 = tpu.memref_slice %arg4[%add3A_15, %dma_start3A_22] : memref<160000x128xf32, #tpu.memory_space<hbm>> -> memref<8x128xf32, #tpu.memory_space<hbm>>
      %dma_start3A_24 = arith.constant 0 : i32
      %dma_start3A_25 = tpu.memref_slice %arg4[%add3A_15, %dma_start3A_24] : memref<160000x128xf32, #tpu.memory_space<hbm>> -> memref<8x128xf32, #tpu.memory_space<hbm>>
      tpu.enqueue_dma source(%arg10 : memref<8x128xf32, #tpu.memory_space<vmem>>) target(%dma_start3A_25 : memref<8x128xf32, #tpu.memory_space<hbm>>) target_semaphore(%run_scoped3A : memref<!tpu.dma_semaphore, #tpu.memory_space<semaphore_mem>>)
      %dma_wait3A_26 = arith.constant 0 : i32
      %dma_wait3A_27 = tpu.memref_slice %arg4[%add3A_15, %dma_wait3A_26] : memref<160000x128xf32, #tpu.memory_space<hbm>> -> memref<8x128xf32, #tpu.memory_space<hbm>>
      %dma_wait3A_28 = arith.constant 0 : i32
      %dma_wait3A_29 = tpu.memref_slice %arg4[%add3A_15, %dma_wait3A_28] : memref<160000x128xf32, #tpu.memory_space<hbm>> -> memref<8x128xf32, #tpu.memory_space<hbm>>
      tpu.wait_dma2 semaphore(%run_scoped3A : memref<!tpu.dma_semaphore, #tpu.memory_space<semaphore_mem>>) src(%arg10 : memref<8x128xf32, #tpu.memory_space<vmem>>) dst(%dma_wait3A_29 : memref<8x128xf32, #tpu.memory_space<hbm>>)
      tpu.yield
    }) : () -> ()
    return
  }
}

#map = affine_map<(d0, d1) -> (0)>
#map1 = affine_map<(d0, d1) -> (0, 0)>
module attributes {stable_mosaic.version = 14 : i64} {
  func.func @scatter_k(%arg0: i32, %arg1: i32, %arg2: memref<2560000xf32, #tpu.memory_space<hbm>>, %arg3: memref<160000xi32, #tpu.memory_space<hbm>>, %arg4: memref<80896xf32, #tpu.memory_space<hbm>>, %arg5: memref<32x80896xf32, #tpu.memory_space<hbm>>, %arg6: memref<128xi32, #tpu.memory_space<vmem>>, %arg7: memref<128xi32, #tpu.memory_space<vmem>>, %arg8: memref<2048xf32, #tpu.memory_space<vmem>>, %arg9: memref<2048xf32, #tpu.memory_space<vmem>>, %arg10: memref<16xi32, #tpu.memory_space<vmem>>, %arg11: memref<256xf32, #tpu.memory_space<vmem>>, %arg12: memref<80896xf32, #tpu.memory_space<vmem>>, %arg13: memref<!tpu.dma_semaphore, #tpu.memory_space<semaphore_mem>>, %arg14: memref<!tpu.dma_semaphore, #tpu.memory_space<semaphore_mem>>, %arg15: memref<!tpu.dma_semaphore, #tpu.memory_space<semaphore_mem>>, %arg16: memref<!tpu.dma_semaphore, #tpu.memory_space<semaphore_mem>>) attributes {dimension_semantics = [#tpu.dimension_semantics<core_parallel>, #tpu.dimension_semantics<subcore_parallel>], iteration_bounds = array<i64: 2, 16>, scalar_prefetch = 0 : i64, scratch_operands = 11 : i64, tpu.core_type = #tpu.core_type<sc_vector_subcore>, window_params = [{transform_indices = #map}, {transform_indices = #map}, {transform_indices = #map}, {transform_indices = #map1}]} {
    %mul3A = arith.constant 16 : i32
    %mul3A_0 = arith.muli %arg0, %mul3A : i32
    %add3A = arith.addi %mul3A_0, %arg1 : i32
    "tpu.region"() ({
      %run_scoped3A = tpu.sem_alloc : memref<!tpu.dma_semaphore, #tpu.memory_space<semaphore_mem>>
      tpu.enqueue_dma source(%arg4 : memref<80896xf32, #tpu.memory_space<hbm>>) target(%arg12 : memref<80896xf32, #tpu.memory_space<vmem>>) target_semaphore(%run_scoped3A : memref<!tpu.dma_semaphore, #tpu.memory_space<semaphore_mem>>)
      tpu.wait_dma2 semaphore(%run_scoped3A : memref<!tpu.dma_semaphore, #tpu.memory_space<semaphore_mem>>) src(%arg4 : memref<80896xf32, #tpu.memory_space<hbm>>) dst(%arg12 : memref<80896xf32, #tpu.memory_space<vmem>>)
      tpu.yield
    }) : () -> ()
    %mul3A_1 = arith.constant 5000 : i32
    %mul3A_2 = arith.muli %add3A, %mul3A_1 : i32
    %iota3A = tpu.iota {dimensions = array<i32: 0>} : vector<16xi32>
    %scan3A = arith.constant 0 : i32
    %scan3A_3 = arith.constant 0 : i32
    %scan3A_4 = arith.constant 19 : i32
    %scan3A_5 = arith.addi %scan3A_3, %scan3A_4 : i32
    %scan3A_6 = arith.constant 1 : i32
    scf.for %scan3A_130 = %scan3A_3 to %scan3A_5 step %scan3A_6  : i32 {
      %mul3A_131 = arith.constant 2 : i32
      %mul3A_132 = arith.muli %mul3A_131, %scan3A_130 : i32
      %mul3A_133 = arith.constant 128 : i32
      %mul3A_134 = arith.muli %mul3A_132, %mul3A_133 : i32
      %add3A_135 = arith.addi %mul3A_2, %mul3A_134 : i32
      %add3A_136 = arith.constant 128 : i32
      %add3A_137 = arith.addi %add3A_135, %add3A_136 : i32
      %dma_start3A = tpu.memref_slice %arg3[%add3A_135] : memref<160000xi32, #tpu.memory_space<hbm>> -> memref<128xi32, #tpu.memory_space<hbm>>
      %dma_start3A_138 = tpu.memref_slice %arg3[%add3A_135] : memref<160000xi32, #tpu.memory_space<hbm>> -> memref<128xi32, #tpu.memory_space<hbm>>
      tpu.enqueue_dma source(%dma_start3A_138 : memref<128xi32, #tpu.memory_space<hbm>>) target(%arg6 : memref<128xi32, #tpu.memory_space<vmem>>) target_semaphore(%arg13 : memref<!tpu.dma_semaphore, #tpu.memory_space<semaphore_mem>>)
      %mul3A_139 = arith.constant 16 : i32
      %mul3A_140 = arith.muli %add3A_135, %mul3A_139 : i32
      %dma_start3A_141 = tpu.memref_slice %arg2[%mul3A_140] : memref<2560000xf32, #tpu.memory_space<hbm>> -> memref<2048xf32, #tpu.memory_space<hbm>>
      %dma_start3A_142 = tpu.memref_slice %arg2[%mul3A_140] : memref<2560000xf32, #tpu.memory_space<hbm>> -> memref<2048xf32, #tpu.memory_space<hbm>>
      tpu.enqueue_dma source(%dma_start3A_142 : memref<2048xf32, #tpu.memory_space<hbm>>) target(%arg8 : memref<2048xf32, #tpu.memory_space<vmem>>) target_semaphore(%arg14 : memref<!tpu.dma_semaphore, #tpu.memory_space<semaphore_mem>>)
      %dma_start3A_143 = tpu.memref_slice %arg3[%add3A_137] : memref<160000xi32, #tpu.memory_space<hbm>> -> memref<128xi32, #tpu.memory_space<hbm>>
      %dma_start3A_144 = tpu.memref_slice %arg3[%add3A_137] : memref<160000xi32, #tpu.memory_space<hbm>> -> memref<128xi32, #tpu.memory_space<hbm>>
      tpu.enqueue_dma source(%dma_start3A_144 : memref<128xi32, #tpu.memory_space<hbm>>) target(%arg7 : memref<128xi32, #tpu.memory_space<vmem>>) target_semaphore(%arg15 : memref<!tpu.dma_semaphore, #tpu.memory_space<semaphore_mem>>)
      %mul3A_145 = arith.constant 16 : i32
      %mul3A_146 = arith.muli %add3A_137, %mul3A_145 : i32
      %dma_start3A_147 = tpu.memref_slice %arg2[%mul3A_146] : memref<2560000xf32, #tpu.memory_space<hbm>> -> memref<2048xf32, #tpu.memory_space<hbm>>
      %dma_start3A_148 = tpu.memref_slice %arg2[%mul3A_146] : memref<2560000xf32, #tpu.memory_space<hbm>> -> memref<2048xf32, #tpu.memory_space<hbm>>
      tpu.enqueue_dma source(%dma_start3A_148 : memref<2048xf32, #tpu.memory_space<hbm>>) target(%arg9 : memref<2048xf32, #tpu.memory_space<vmem>>) target_semaphore(%arg16 : memref<!tpu.dma_semaphore, #tpu.memory_space<semaphore_mem>>)
      %dma_wait3A = tpu.memref_slice %arg3[%add3A_135] : memref<160000xi32, #tpu.memory_space<hbm>> -> memref<128xi32, #tpu.memory_space<hbm>>
      %dma_wait3A_149 = tpu.memref_slice %arg3[%add3A_135] : memref<160000xi32, #tpu.memory_space<hbm>> -> memref<128xi32, #tpu.memory_space<hbm>>
      tpu.wait_dma2 semaphore(%arg13 : memref<!tpu.dma_semaphore, #tpu.memory_space<semaphore_mem>>) src(%dma_wait3A_149 : memref<128xi32, #tpu.memory_space<hbm>>) dst(%arg6 : memref<128xi32, #tpu.memory_space<vmem>>)
      %dma_wait3A_150 = tpu.memref_slice %arg2[%mul3A_140] : memref<2560000xf32, #tpu.memory_space<hbm>> -> memref<2048xf32, #tpu.memory_space<hbm>>
      %dma_wait3A_151 = tpu.memref_slice %arg2[%mul3A_140] : memref<2560000xf32, #tpu.memory_space<hbm>> -> memref<2048xf32, #tpu.memory_space<hbm>>
      tpu.wait_dma2 semaphore(%arg14 : memref<!tpu.dma_semaphore, #tpu.memory_space<semaphore_mem>>) src(%dma_wait3A_151 : memref<2048xf32, #tpu.memory_space<hbm>>) dst(%arg8 : memref<2048xf32, #tpu.memory_space<vmem>>)
      %scan3A_152 = arith.constant 0 : i32
      %scan3A_153 = arith.constant 0 : i32
      %scan3A_154 = arith.constant 8 : i32
      %scan3A_155 = arith.addi %scan3A_153, %scan3A_154 : i32
      %scan3A_156 = arith.constant 1 : i32
      scf.for %scan3A_168 = %scan3A_153 to %scan3A_155 step %scan3A_156  : i32 {
        %mul3A_169 = arith.constant 16 : i32
        %mul3A_170 = arith.muli %scan3A_168, %mul3A_169 : i32
        %get3A_171 = arith.index_cast %mul3A_170 : i32 to index
        %get3A_172 = tpu.vector_load %arg6[%get3A_171] {strides = array<i32>} : memref<128xi32, #tpu.memory_space<vmem>>, vector<16xi32>,
        %add3A_173 = vector.broadcast %mul3A_170 : i32 to vector<16xi32>
        %add3A_174 = arith.addi %add3A_173, %iota3A : vector<16xi32>
        %mul3A_175 = arith.constant 16 : i32
        %mul3A_176 = vector.broadcast %mul3A_175 : i32 to vector<16xi32>
        %mul3A_177 = arith.muli %add3A_174, %mul3A_176 : vector<16xi32>
        %add3A_178 = arith.constant 0 : i32
        %add3A_179 = vector.broadcast %add3A_178 : i32 to vector<16xi32>
        %add3A_180 = arith.addi %mul3A_177, %add3A_179 : vector<16xi32>
        %gather3A_181 = tpu.vector_load_idx %arg8[%add3A_180] : memref<2048xf32, #tpu.memory_space<vmem>>[vector<16xi32>], vector<16xf32>,
        %mul3A_182 = arith.constant 8 : i32
        %mul3A_183 = vector.broadcast %mul3A_182 : i32 to vector<16xi32>
        %mul3A_184 = arith.muli %get3A_172, %mul3A_183 : vector<16xi32>
        %add3A_185 = arith.constant 0 : i32
        %add3A_186 = vector.broadcast %add3A_185 : i32 to vector<16xi32>
        %add3A_187 = arith.addi %mul3A_184, %add3A_186 : vector<16xi32>
        tpu.vector_store_idx %arg12[%add3A_187], %gather3A_181 {add = true} : memref<80896xf32, #tpu.memory_space<vmem>>[vector<16xi32>], vector<16xf32>,
        %add3A_188 = arith.constant 1 : i32
        %add3A_189 = vector.broadcast %add3A_188 : i32 to vector<16xi32>
        %add3A_190 = arith.addi %mul3A_177, %add3A_189 : vector<16xi32>
        %gather3A_191 = tpu.vector_load_idx %arg8[%add3A_190] : memref<2048xf32, #tpu.memory_space<vmem>>[vector<16xi32>], vector<16xf32>,
        %mul3A_192 = arith.constant 8 : i32
        %mul3A_193 = vector.broadcast %mul3A_192 : i32 to vector<16xi32>
        %mul3A_194 = arith.muli %get3A_172, %mul3A_193 : vector<16xi32>
        %add3A_195 = arith.constant 1 : i32
        %add3A_196 = vector.broadcast %add3A_195 : i32 to vector<16xi32>
        %add3A_197 = arith.addi %mul3A_194, %add3A_196 : vector<16xi32>
        tpu.vector_store_idx %arg12[%add3A_197], %gather3A_191 {add = true} : memref<80896xf32, #tpu.memory_space<vmem>>[vector<16xi32>], vector<16xf32>,
        %add3A_198 = arith.constant 2 : i32
        %add3A_199 = vector.broadcast %add3A_198 : i32 to vector<16xi32>
        %add3A_200 = arith.addi %mul3A_177, %add3A_199 : vector<16xi32>
        %gather3A_201 = tpu.vector_load_idx %arg8[%add3A_200] : memref<2048xf32, #tpu.memory_space<vmem>>[vector<16xi32>], vector<16xf32>,
        %mul3A_202 = arith.constant 8 : i32
        %mul3A_203 = vector.broadcast %mul3A_202 : i32 to vector<16xi32>
        %mul3A_204 = arith.muli %get3A_172, %mul3A_203 : vector<16xi32>
        %add3A_205 = arith.constant 2 : i32
        %add3A_206 = vector.broadcast %add3A_205 : i32 to vector<16xi32>
        %add3A_207 = arith.addi %mul3A_204, %add3A_206 : vector<16xi32>
        tpu.vector_store_idx %arg12[%add3A_207], %gather3A_201 {add = true} : memref<80896xf32, #tpu.memory_space<vmem>>[vector<16xi32>], vector<16xf32>,
        %add3A_208 = arith.constant 3 : i32
        %add3A_209 = vector.broadcast %add3A_208 : i32 to vector<16xi32>
        %add3A_210 = arith.addi %mul3A_177, %add3A_209 : vector<16xi32>
        %gather3A_211 = tpu.vector_load_idx %arg8[%add3A_210] : memref<2048xf32, #tpu.memory_space<vmem>>[vector<16xi32>], vector<16xf32>,
        %mul3A_212 = arith.constant 8 : i32
        %mul3A_213 = vector.broadcast %mul3A_212 : i32 to vector<16xi32>
        %mul3A_214 = arith.muli %get3A_172, %mul3A_213 : vector<16xi32>
        %add3A_215 = arith.constant 3 : i32
        %add3A_216 = vector.broadcast %add3A_215 : i32 to vector<16xi32>
        %add3A_217 = arith.addi %mul3A_214, %add3A_216 : vector<16xi32>
        tpu.vector_store_idx %arg12[%add3A_217], %gather3A_211 {add = true} : memref<80896xf32, #tpu.memory_space<vmem>>[vector<16xi32>], vector<16xf32>,
        %add3A_218 = arith.constant 4 : i32
        %add3A_219 = vector.broadcast %add3A_218 : i32 to vector<16xi32>
        %add3A_220 = arith.addi %mul3A_177, %add3A_219 : vector<16xi32>
        %gather3A_221 = tpu.vector_load_idx %arg8[%add3A_220] : memref<2048xf32, #tpu.memory_space<vmem>>[vector<16xi32>], vector<16xf32>,
        %mul3A_222 = arith.constant 8 : i32
        %mul3A_223 = vector.broadcast %mul3A_222 : i32 to vector<16xi32>
        %mul3A_224 = arith.muli %get3A_172, %mul3A_223 : vector<16xi32>
        %add3A_225 = arith.constant 4 : i32
        %add3A_226 = vector.broadcast %add3A_225 : i32 to vector<16xi32>
        %add3A_227 = arith.addi %mul3A_224, %add3A_226 : vector<16xi32>
        tpu.vector_store_idx %arg12[%add3A_227], %gather3A_221 {add = true} : memref<80896xf32, #tpu.memory_space<vmem>>[vector<16xi32>], vector<16xf32>,
        %add3A_228 = arith.constant 5 : i32
        %add3A_229 = vector.broadcast %add3A_228 : i32 to vector<16xi32>
        %add3A_230 = arith.addi %mul3A_177, %add3A_229 : vector<16xi32>
        %gather3A_231 = tpu.vector_load_idx %arg8[%add3A_230] : memref<2048xf32, #tpu.memory_space<vmem>>[vector<16xi32>], vector<16xf32>,
        %mul3A_232 = arith.constant 8 : i32
        %mul3A_233 = vector.broadcast %mul3A_232 : i32 to vector<16xi32>
        %mul3A_234 = arith.muli %get3A_172, %mul3A_233 : vector<16xi32>
        %add3A_235 = arith.constant 5 : i32
        %add3A_236 = vector.broadcast %add3A_235 : i32 to vector<16xi32>
        %add3A_237 = arith.addi %mul3A_234, %add3A_236 : vector<16xi32>
        tpu.vector_store_idx %arg12[%add3A_237], %gather3A_231 {add = true} : memref<80896xf32, #tpu.memory_space<vmem>>[vector<16xi32>], vector<16xf32>,
        %add3A_238 = arith.constant 6 : i32
        %add3A_239 = vector.broadcast %add3A_238 : i32 to vector<16xi32>
        %add3A_240 = arith.addi %mul3A_177, %add3A_239 : vector<16xi32>
        %gather3A_241 = tpu.vector_load_idx %arg8[%add3A_240] : memref<2048xf32, #tpu.memory_space<vmem>>[vector<16xi32>], vector<16xf32>,
        %mul3A_242 = arith.constant 8 : i32
        %mul3A_243 = vector.broadcast %mul3A_242 : i32 to vector<16xi32>
        %mul3A_244 = arith.muli %get3A_172, %mul3A_243 : vector<16xi32>
        %add3A_245 = arith.constant 6 : i32
        %add3A_246 = vector.broadcast %add3A_245 : i32 to vector<16xi32>
        %add3A_247 = arith.addi %mul3A_244, %add3A_246 : vector<16xi32>
        tpu.vector_store_idx %arg12[%add3A_247], %gather3A_241 {add = true} : memref<80896xf32, #tpu.memory_space<vmem>>[vector<16xi32>], vector<16xf32>,
        %add3A_248 = arith.constant 7 : i32
        %add3A_249 = vector.broadcast %add3A_248 : i32 to vector<16xi32>
        %add3A_250 = arith.addi %mul3A_177, %add3A_249 : vector<16xi32>
        %gather3A_251 = tpu.vector_load_idx %arg8[%add3A_250] : memref<2048xf32, #tpu.memory_space<vmem>>[vector<16xi32>], vector<16xf32>,
        %mul3A_252 = arith.constant 8 : i32
        %mul3A_253 = vector.broadcast %mul3A_252 : i32 to vector<16xi32>
        %mul3A_254 = arith.muli %get3A_172, %mul3A_253 : vector<16xi32>
        %add3A_255 = arith.constant 7 : i32
        %add3A_256 = vector.broadcast %add3A_255 : i32 to vector<16xi32>
        %add3A_257 = arith.addi %mul3A_254, %add3A_256 : vector<16xi32>
        tpu.vector_store_idx %arg12[%add3A_257], %gather3A_251 {add = true} : memref<80896xf32, #tpu.memory_space<vmem>>[vector<16xi32>], vector<16xf32>,
      }
      %scan3A_157 = arith.constant 8 : i32
      %dma_wait3A_158 = tpu.memref_slice %arg3[%add3A_137] : memref<160000xi32, #tpu.memory_space<hbm>> -> memref<128xi32, #tpu.memory_space<hbm>>
      %dma_wait3A_159 = tpu.memref_slice %arg3[%add3A_137] : memref<160000xi32, #tpu.memory_space<hbm>> -> memref<128xi32, #tpu.memory_space<hbm>>
      tpu.wait_dma2 semaphore(%arg15 : memref<!tpu.dma_semaphore, #tpu.memory_space<semaphore_mem>>) src(%dma_wait3A_159 : memref<128xi32, #tpu.memory_space<hbm>>) dst(%arg7 : memref<128xi32, #tpu.memory_space<vmem>>)
      %dma_wait3A_160 = tpu.memref_slice %arg2[%mul3A_146] : memref<2560000xf32, #tpu.memory_space<hbm>> -> memref<2048xf32, #tpu.memory_space<hbm>>
      %dma_wait3A_161 = tpu.memref_slice %arg2[%mul3A_146] : memref<2560000xf32, #tpu.memory_space<hbm>> -> memref<2048xf32, #tpu.memory_space<hbm>>
      tpu.wait_dma2 semaphore(%arg16 : memref<!tpu.dma_semaphore, #tpu.memory_space<semaphore_mem>>) src(%dma_wait3A_161 : memref<2048xf32, #tpu.memory_space<hbm>>) dst(%arg9 : memref<2048xf32, #tpu.memory_space<vmem>>)
      %scan3A_162 = arith.constant 0 : i32
      %scan3A_163 = arith.constant 0 : i32
      %scan3A_164 = arith.constant 8 : i32
      %scan3A_165 = arith.addi %scan3A_163, %scan3A_164 : i32
      %scan3A_166 = arith.constant 1 : i32
      scf.for %scan3A_168 = %scan3A_163 to %scan3A_165 step %scan3A_166  : i32 {
        %mul3A_169 = arith.constant 16 : i32
        %mul3A_170 = arith.muli %scan3A_168, %mul3A_169 : i32
        %get3A_171 = arith.index_cast %mul3A_170 : i32 to index
        %get3A_172 = tpu.vector_load %arg7[%get3A_171] {strides = array<i32>} : memref<128xi32, #tpu.memory_space<vmem>>, vector<16xi32>,
        %add3A_173 = vector.broadcast %mul3A_170 : i32 to vector<16xi32>
        %add3A_174 = arith.addi %add3A_173, %iota3A : vector<16xi32>
        %mul3A_175 = arith.constant 16 : i32
        %mul3A_176 = vector.broadcast %mul3A_175 : i32 to vector<16xi32>
        %mul3A_177 = arith.muli %add3A_174, %mul3A_176 : vector<16xi32>
        %add3A_178 = arith.constant 0 : i32
        %add3A_179 = vector.broadcast %add3A_178 : i32 to vector<16xi32>
        %add3A_180 = arith.addi %mul3A_177, %add3A_179 : vector<16xi32>
        %gather3A_181 = tpu.vector_load_idx %arg9[%add3A_180] : memref<2048xf32, #tpu.memory_space<vmem>>[vector<16xi32>], vector<16xf32>,
        %mul3A_182 = arith.constant 8 : i32
        %mul3A_183 = vector.broadcast %mul3A_182 : i32 to vector<16xi32>
        %mul3A_184 = arith.muli %get3A_172, %mul3A_183 : vector<16xi32>
        %add3A_185 = arith.constant 0 : i32
        %add3A_186 = vector.broadcast %add3A_185 : i32 to vector<16xi32>
        %add3A_187 = arith.addi %mul3A_184, %add3A_186 : vector<16xi32>
        tpu.vector_store_idx %arg12[%add3A_187], %gather3A_181 {add = true} : memref<80896xf32, #tpu.memory_space<vmem>>[vector<16xi32>], vector<16xf32>,
        %add3A_188 = arith.constant 1 : i32
        %add3A_189 = vector.broadcast %add3A_188 : i32 to vector<16xi32>
        %add3A_190 = arith.addi %mul3A_177, %add3A_189 : vector<16xi32>
        %gather3A_191 = tpu.vector_load_idx %arg9[%add3A_190] : memref<2048xf32, #tpu.memory_space<vmem>>[vector<16xi32>], vector<16xf32>,
        %mul3A_192 = arith.constant 8 : i32
        %mul3A_193 = vector.broadcast %mul3A_192 : i32 to vector<16xi32>
        %mul3A_194 = arith.muli %get3A_172, %mul3A_193 : vector<16xi32>
        %add3A_195 = arith.constant 1 : i32
        %add3A_196 = vector.broadcast %add3A_195 : i32 to vector<16xi32>
        %add3A_197 = arith.addi %mul3A_194, %add3A_196 : vector<16xi32>
        tpu.vector_store_idx %arg12[%add3A_197], %gather3A_191 {add = true} : memref<80896xf32, #tpu.memory_space<vmem>>[vector<16xi32>], vector<16xf32>,
        %add3A_198 = arith.constant 2 : i32
        %add3A_199 = vector.broadcast %add3A_198 : i32 to vector<16xi32>
        %add3A_200 = arith.addi %mul3A_177, %add3A_199 : vector<16xi32>
        %gather3A_201 = tpu.vector_load_idx %arg9[%add3A_200] : memref<2048xf32, #tpu.memory_space<vmem>>[vector<16xi32>], vector<16xf32>,
        %mul3A_202 = arith.constant 8 : i32
        %mul3A_203 = vector.broadcast %mul3A_202 : i32 to vector<16xi32>
        %mul3A_204 = arith.muli %get3A_172, %mul3A_203 : vector<16xi32>
        %add3A_205 = arith.constant 2 : i32
        %add3A_206 = vector.broadcast %add3A_205 : i32 to vector<16xi32>
        %add3A_207 = arith.addi %mul3A_204, %add3A_206 : vector<16xi32>
        tpu.vector_store_idx %arg12[%add3A_207], %gather3A_201 {add = true} : memref<80896xf32, #tpu.memory_space<vmem>>[vector<16xi32>], vector<16xf32>,
        %add3A_208 = arith.constant 3 : i32
        %add3A_209 = vector.broadcast %add3A_208 : i32 to vector<16xi32>
        %add3A_210 = arith.addi %mul3A_177, %add3A_209 : vector<16xi32>
        %gather3A_211 = tpu.vector_load_idx %arg9[%add3A_210] : memref<2048xf32, #tpu.memory_space<vmem>>[vector<16xi32>], vector<16xf32>,
        %mul3A_212 = arith.constant 8 : i32
        %mul3A_213 = vector.broadcast %mul3A_212 : i32 to vector<16xi32>
        %mul3A_214 = arith.muli %get3A_172, %mul3A_213 : vector<16xi32>
        %add3A_215 = arith.constant 3 : i32
        %add3A_216 = vector.broadcast %add3A_215 : i32 to vector<16xi32>
        %add3A_217 = arith.addi %mul3A_214, %add3A_216 : vector<16xi32>
        tpu.vector_store_idx %arg12[%add3A_217], %gather3A_211 {add = true} : memref<80896xf32, #tpu.memory_space<vmem>>[vector<16xi32>], vector<16xf32>,
        %add3A_218 = arith.constant 4 : i32
        %add3A_219 = vector.broadcast %add3A_218 : i32 to vector<16xi32>
        %add3A_220 = arith.addi %mul3A_177, %add3A_219 : vector<16xi32>
        %gather3A_221 = tpu.vector_load_idx %arg9[%add3A_220] : memref<2048xf32, #tpu.memory_space<vmem>>[vector<16xi32>], vector<16xf32>,
        %mul3A_222 = arith.constant 8 : i32
        %mul3A_223 = vector.broadcast %mul3A_222 : i32 to vector<16xi32>
        %mul3A_224 = arith.muli %get3A_172, %mul3A_223 : vector<16xi32>
        %add3A_225 = arith.constant 4 : i32
        %add3A_226 = vector.broadcast %add3A_225 : i32 to vector<16xi32>
        %add3A_227 = arith.addi %mul3A_224, %add3A_226 : vector<16xi32>
        tpu.vector_store_idx %arg12[%add3A_227], %gather3A_221 {add = true} : memref<80896xf32, #tpu.memory_space<vmem>>[vector<16xi32>], vector<16xf32>,
        %add3A_228 = arith.constant 5 : i32
        %add3A_229 = vector.broadcast %add3A_228 : i32 to vector<16xi32>
        %add3A_230 = arith.addi %mul3A_177, %add3A_229 : vector<16xi32>
        %gather3A_231 = tpu.vector_load_idx %arg9[%add3A_230] : memref<2048xf32, #tpu.memory_space<vmem>>[vector<16xi32>], vector<16xf32>,
        %mul3A_232 = arith.constant 8 : i32
        %mul3A_233 = vector.broadcast %mul3A_232 : i32 to vector<16xi32>
        %mul3A_234 = arith.muli %get3A_172, %mul3A_233 : vector<16xi32>
        %add3A_235 = arith.constant 5 : i32
        %add3A_236 = vector.broadcast %add3A_235 : i32 to vector<16xi32>
        %add3A_237 = arith.addi %mul3A_234, %add3A_236 : vector<16xi32>
        tpu.vector_store_idx %arg12[%add3A_237], %gather3A_231 {add = true} : memref<80896xf32, #tpu.memory_space<vmem>>[vector<16xi32>], vector<16xf32>,
        %add3A_238 = arith.constant 6 : i32
        %add3A_239 = vector.broadcast %add3A_238 : i32 to vector<16xi32>
        %add3A_240 = arith.addi %mul3A_177, %add3A_239 : vector<16xi32>
        %gather3A_241 = tpu.vector_load_idx %arg9[%add3A_240] : memref<2048xf32, #tpu.memory_space<vmem>>[vector<16xi32>], vector<16xf32>,
        %mul3A_242 = arith.constant 8 : i32
        %mul3A_243 = vector.broadcast %mul3A_242 : i32 to vector<16xi32>
        %mul3A_244 = arith.muli %get3A_172, %mul3A_243 : vector<16xi32>
        %add3A_245 = arith.constant 6 : i32
        %add3A_246 = vector.broadcast %add3A_245 : i32 to vector<16xi32>
        %add3A_247 = arith.addi %mul3A_244, %add3A_246 : vector<16xi32>
        tpu.vector_store_idx %arg12[%add3A_247], %gather3A_241 {add = true} : memref<80896xf32, #tpu.memory_space<vmem>>[vector<16xi32>], vector<16xf32>,
        %add3A_248 = arith.constant 7 : i32
        %add3A_249 = vector.broadcast %add3A_248 : i32 to vector<16xi32>
        %add3A_250 = arith.addi %mul3A_177, %add3A_249 : vector<16xi32>
        %gather3A_251 = tpu.vector_load_idx %arg9[%add3A_250] : memref<2048xf32, #tpu.memory_space<vmem>>[vector<16xi32>], vector<16xf32>,
        %mul3A_252 = arith.constant 8 : i32
        %mul3A_253 = vector.broadcast %mul3A_252 : i32 to vector<16xi32>
        %mul3A_254 = arith.muli %get3A_172, %mul3A_253 : vector<16xi32>
        %add3A_255 = arith.constant 7 : i32
        %add3A_256 = vector.broadcast %add3A_255 : i32 to vector<16xi32>
        %add3A_257 = arith.addi %mul3A_254, %add3A_256 : vector<16xi32>
        tpu.vector_store_idx %arg12[%add3A_257], %gather3A_251 {add = true} : memref<80896xf32, #tpu.memory_space<vmem>>[vector<16xi32>], vector<16xf32>,
      }
      %scan3A_167 = arith.constant 8 : i32
    }
    %scan3A_7 = arith.constant 19 : i32
    %add3A_8 = arith.constant 4864 : i32
    %add3A_9 = arith.addi %mul3A_2, %add3A_8 : i32
    "tpu.region"() ({
      %run_scoped3A = tpu.sem_alloc : memref<!tpu.dma_semaphore, #tpu.memory_space<semaphore_mem>>
      %dma_start3A = tpu.memref_slice %arg3[%add3A_9] : memref<160000xi32, #tpu.memory_space<hbm>> -> memref<128xi32, #tpu.memory_space<hbm>>
      %dma_start3A_130 = tpu.memref_slice %arg3[%add3A_9] : memref<160000xi32, #tpu.memory_space<hbm>> -> memref<128xi32, #tpu.memory_space<hbm>>
      tpu.enqueue_dma source(%dma_start3A_130 : memref<128xi32, #tpu.memory_space<hbm>>) target(%arg6 : memref<128xi32, #tpu.memory_space<vmem>>) target_semaphore(%run_scoped3A : memref<!tpu.dma_semaphore, #tpu.memory_space<semaphore_mem>>)
      %dma_wait3A = tpu.memref_slice %arg3[%add3A_9] : memref<160000xi32, #tpu.memory_space<hbm>> -> memref<128xi32, #tpu.memory_space<hbm>>
      %dma_wait3A_131 = tpu.memref_slice %arg3[%add3A_9] : memref<160000xi32, #tpu.memory_space<hbm>> -> memref<128xi32, #tpu.memory_space<hbm>>
      tpu.wait_dma2 semaphore(%run_scoped3A : memref<!tpu.dma_semaphore, #tpu.memory_space<semaphore_mem>>) src(%dma_wait3A_131 : memref<128xi32, #tpu.memory_space<hbm>>) dst(%arg6 : memref<128xi32, #tpu.memory_space<vmem>>)
      tpu.yield
    }) : () -> ()
    %mul3A_10 = arith.constant 16 : i32
    %mul3A_11 = arith.muli %add3A_9, %mul3A_10 : i32
    "tpu.region"() ({
      %run_scoped3A = tpu.sem_alloc : memref<!tpu.dma_semaphore, #tpu.memory_space<semaphore_mem>>
      %dma_start3A = tpu.memref_slice %arg2[%mul3A_11] : memref<2560000xf32, #tpu.memory_space<hbm>> -> memref<2048xf32, #tpu.memory_space<hbm>>
      %dma_start3A_130 = tpu.memref_slice %arg2[%mul3A_11] : memref<2560000xf32, #tpu.memory_space<hbm>> -> memref<2048xf32, #tpu.memory_space<hbm>>
      tpu.enqueue_dma source(%dma_start3A_130 : memref<2048xf32, #tpu.memory_space<hbm>>) target(%arg8 : memref<2048xf32, #tpu.memory_space<vmem>>) target_semaphore(%run_scoped3A : memref<!tpu.dma_semaphore, #tpu.memory_space<semaphore_mem>>)
      %dma_wait3A = tpu.memref_slice %arg2[%mul3A_11] : memref<2560000xf32, #tpu.memory_space<hbm>> -> memref<2048xf32, #tpu.memory_space<hbm>>
      %dma_wait3A_131 = tpu.memref_slice %arg2[%mul3A_11] : memref<2560000xf32, #tpu.memory_space<hbm>> -> memref<2048xf32, #tpu.memory_space<hbm>>
      tpu.wait_dma2 semaphore(%run_scoped3A : memref<!tpu.dma_semaphore, #tpu.memory_space<semaphore_mem>>) src(%dma_wait3A_131 : memref<2048xf32, #tpu.memory_space<hbm>>) dst(%arg8 : memref<2048xf32, #tpu.memory_space<vmem>>)
      tpu.yield
    }) : () -> ()
    %scan3A_12 = arith.constant 0 : i32
    %scan3A_13 = arith.constant 0 : i32
    %scan3A_14 = arith.constant 8 : i32
    %scan3A_15 = arith.addi %scan3A_13, %scan3A_14 : i32
    %scan3A_16 = arith.constant 1 : i32
    scf.for %scan3A_130 = %scan3A_13 to %scan3A_15 step %scan3A_16  : i32 {
      %mul3A_131 = arith.constant 16 : i32
      %mul3A_132 = arith.muli %scan3A_130, %mul3A_131 : i32
      %get3A_133 = arith.index_cast %mul3A_132 : i32 to index
      %get3A_134 = tpu.vector_load %arg6[%get3A_133] {strides = array<i32>} : memref<128xi32, #tpu.memory_space<vmem>>, vector<16xi32>,
      %add3A_135 = vector.broadcast %mul3A_132 : i32 to vector<16xi32>
      %add3A_136 = arith.addi %add3A_135, %iota3A : vector<16xi32>
      %mul3A_137 = arith.constant 16 : i32
      %mul3A_138 = vector.broadcast %mul3A_137 : i32 to vector<16xi32>
      %mul3A_139 = arith.muli %add3A_136, %mul3A_138 : vector<16xi32>
      %add3A_140 = arith.constant 0 : i32
      %add3A_141 = vector.broadcast %add3A_140 : i32 to vector<16xi32>
      %add3A_142 = arith.addi %mul3A_139, %add3A_141 : vector<16xi32>
      %gather3A_143 = tpu.vector_load_idx %arg8[%add3A_142] : memref<2048xf32, #tpu.memory_space<vmem>>[vector<16xi32>], vector<16xf32>,
      %mul3A_144 = arith.constant 8 : i32
      %mul3A_145 = vector.broadcast %mul3A_144 : i32 to vector<16xi32>
      %mul3A_146 = arith.muli %get3A_134, %mul3A_145 : vector<16xi32>
      %add3A_147 = arith.constant 0 : i32
      %add3A_148 = vector.broadcast %add3A_147 : i32 to vector<16xi32>
      %add3A_149 = arith.addi %mul3A_146, %add3A_148 : vector<16xi32>
      tpu.vector_store_idx %arg12[%add3A_149], %gather3A_143 {add = true} : memref<80896xf32, #tpu.memory_space<vmem>>[vector<16xi32>], vector<16xf32>,
      %add3A_150 = arith.constant 1 : i32
      %add3A_151 = vector.broadcast %add3A_150 : i32 to vector<16xi32>
      %add3A_152 = arith.addi %mul3A_139, %add3A_151 : vector<16xi32>
      %gather3A_153 = tpu.vector_load_idx %arg8[%add3A_152] : memref<2048xf32, #tpu.memory_space<vmem>>[vector<16xi32>], vector<16xf32>,
      %mul3A_154 = arith.constant 8 : i32
      %mul3A_155 = vector.broadcast %mul3A_154 : i32 to vector<16xi32>
      %mul3A_156 = arith.muli %get3A_134, %mul3A_155 : vector<16xi32>
      %add3A_157 = arith.constant 1 : i32
      %add3A_158 = vector.broadcast %add3A_157 : i32 to vector<16xi32>
      %add3A_159 = arith.addi %mul3A_156, %add3A_158 : vector<16xi32>
      tpu.vector_store_idx %arg12[%add3A_159], %gather3A_153 {add = true} : memref<80896xf32, #tpu.memory_space<vmem>>[vector<16xi32>], vector<16xf32>,
      %add3A_160 = arith.constant 2 : i32
      %add3A_161 = vector.broadcast %add3A_160 : i32 to vector<16xi32>
      %add3A_162 = arith.addi %mul3A_139, %add3A_161 : vector<16xi32>
      %gather3A_163 = tpu.vector_load_idx %arg8[%add3A_162] : memref<2048xf32, #tpu.memory_space<vmem>>[vector<16xi32>], vector<16xf32>,
      %mul3A_164 = arith.constant 8 : i32
      %mul3A_165 = vector.broadcast %mul3A_164 : i32 to vector<16xi32>
      %mul3A_166 = arith.muli %get3A_134, %mul3A_165 : vector<16xi32>
      %add3A_167 = arith.constant 2 : i32
      %add3A_168 = vector.broadcast %add3A_167 : i32 to vector<16xi32>
      %add3A_169 = arith.addi %mul3A_166, %add3A_168 : vector<16xi32>
      tpu.vector_store_idx %arg12[%add3A_169], %gather3A_163 {add = true} : memref<80896xf32, #tpu.memory_space<vmem>>[vector<16xi32>], vector<16xf32>,
      %add3A_170 = arith.constant 3 : i32
      %add3A_171 = vector.broadcast %add3A_170 : i32 to vector<16xi32>
      %add3A_172 = arith.addi %mul3A_139, %add3A_171 : vector<16xi32>
      %gather3A_173 = tpu.vector_load_idx %arg8[%add3A_172] : memref<2048xf32, #tpu.memory_space<vmem>>[vector<16xi32>], vector<16xf32>,
      %mul3A_174 = arith.constant 8 : i32
      %mul3A_175 = vector.broadcast %mul3A_174 : i32 to vector<16xi32>
      %mul3A_176 = arith.muli %get3A_134, %mul3A_175 : vector<16xi32>
      %add3A_177 = arith.constant 3 : i32
      %add3A_178 = vector.broadcast %add3A_177 : i32 to vector<16xi32>
      %add3A_179 = arith.addi %mul3A_176, %add3A_178 : vector<16xi32>
      tpu.vector_store_idx %arg12[%add3A_179], %gather3A_173 {add = true} : memref<80896xf32, #tpu.memory_space<vmem>>[vector<16xi32>], vector<16xf32>,
      %add3A_180 = arith.constant 4 : i32
      %add3A_181 = vector.broadcast %add3A_180 : i32 to vector<16xi32>
      %add3A_182 = arith.addi %mul3A_139, %add3A_181 : vector<16xi32>
      %gather3A_183 = tpu.vector_load_idx %arg8[%add3A_182] : memref<2048xf32, #tpu.memory_space<vmem>>[vector<16xi32>], vector<16xf32>,
      %mul3A_184 = arith.constant 8 : i32
      %mul3A_185 = vector.broadcast %mul3A_184 : i32 to vector<16xi32>
      %mul3A_186 = arith.muli %get3A_134, %mul3A_185 : vector<16xi32>
      %add3A_187 = arith.constant 4 : i32
      %add3A_188 = vector.broadcast %add3A_187 : i32 to vector<16xi32>
      %add3A_189 = arith.addi %mul3A_186, %add3A_188 : vector<16xi32>
      tpu.vector_store_idx %arg12[%add3A_189], %gather3A_183 {add = true} : memref<80896xf32, #tpu.memory_space<vmem>>[vector<16xi32>], vector<16xf32>,
      %add3A_190 = arith.constant 5 : i32
      %add3A_191 = vector.broadcast %add3A_190 : i32 to vector<16xi32>
      %add3A_192 = arith.addi %mul3A_139, %add3A_191 : vector<16xi32>
      %gather3A_193 = tpu.vector_load_idx %arg8[%add3A_192] : memref<2048xf32, #tpu.memory_space<vmem>>[vector<16xi32>], vector<16xf32>,
      %mul3A_194 = arith.constant 8 : i32
      %mul3A_195 = vector.broadcast %mul3A_194 : i32 to vector<16xi32>
      %mul3A_196 = arith.muli %get3A_134, %mul3A_195 : vector<16xi32>
      %add3A_197 = arith.constant 5 : i32
      %add3A_198 = vector.broadcast %add3A_197 : i32 to vector<16xi32>
      %add3A_199 = arith.addi %mul3A_196, %add3A_198 : vector<16xi32>
      tpu.vector_store_idx %arg12[%add3A_199], %gather3A_193 {add = true} : memref<80896xf32, #tpu.memory_space<vmem>>[vector<16xi32>], vector<16xf32>,
      %add3A_200 = arith.constant 6 : i32
      %add3A_201 = vector.broadcast %add3A_200 : i32 to vector<16xi32>
      %add3A_202 = arith.addi %mul3A_139, %add3A_201 : vector<16xi32>
      %gather3A_203 = tpu.vector_load_idx %arg8[%add3A_202] : memref<2048xf32, #tpu.memory_space<vmem>>[vector<16xi32>], vector<16xf32>,
      %mul3A_204 = arith.constant 8 : i32
      %mul3A_205 = vector.broadcast %mul3A_204 : i32 to vector<16xi32>
      %mul3A_206 = arith.muli %get3A_134, %mul3A_205 : vector<16xi32>
      %add3A_207 = arith.constant 6 : i32
      %add3A_208 = vector.broadcast %add3A_207 : i32 to vector<16xi32>
      %add3A_209 = arith.addi %mul3A_206, %add3A_208 : vector<16xi32>
      tpu.vector_store_idx %arg12[%add3A_209], %gather3A_203 {add = true} : memref<80896xf32, #tpu.memory_space<vmem>>[vector<16xi32>], vector<16xf32>,
      %add3A_210 = arith.constant 7 : i32
      %add3A_211 = vector.broadcast %add3A_210 : i32 to vector<16xi32>
      %add3A_212 = arith.addi %mul3A_139, %add3A_211 : vector<16xi32>
      %gather3A_213 = tpu.vector_load_idx %arg8[%add3A_212] : memref<2048xf32, #tpu.memory_space<vmem>>[vector<16xi32>], vector<16xf32>,
      %mul3A_214 = arith.constant 8 : i32
      %mul3A_215 = vector.broadcast %mul3A_214 : i32 to vector<16xi32>
      %mul3A_216 = arith.muli %get3A_134, %mul3A_215 : vector<16xi32>
      %add3A_217 = arith.constant 7 : i32
      %add3A_218 = vector.broadcast %add3A_217 : i32 to vector<16xi32>
      %add3A_219 = arith.addi %mul3A_216, %add3A_218 : vector<16xi32>
      tpu.vector_store_idx %arg12[%add3A_219], %gather3A_213 {add = true} : memref<80896xf32, #tpu.memory_space<vmem>>[vector<16xi32>], vector<16xf32>,
    }
    %scan3A_17 = arith.constant 8 : i32
    %add3A_18 = arith.constant 4992 : i32
    %add3A_19 = arith.addi %mul3A_2, %add3A_18 : i32
    %broadcast_in_dim3A = arith.constant 0 : i32
    %broadcast_in_dim3A_20 = vector.broadcast %broadcast_in_dim3A : i32 to vector<16xi32>
    %swap3A = arith.constant 0 : index
    %swap3A_21 = tpu.vector_load %arg10[%swap3A] {strides = array<i32>} : memref<16xi32, #tpu.memory_space<vmem>>, vector<16xi32>,
    tpu.vector_store %arg10[%swap3A], %broadcast_in_dim3A_20 {strides = array<i32>} : memref<16xi32, #tpu.memory_space<vmem>>, vector<16xi32>,
    "tpu.region"() ({
      %run_scoped3A = tpu.sem_alloc : memref<!tpu.dma_semaphore, #tpu.memory_space<semaphore_mem>>
      %dma_start3A = arith.constant 0 : i32
      %dma_start3A_130 = tpu.memref_slice %arg10[%dma_start3A] : memref<16xi32, #tpu.memory_space<vmem>> -> memref<8xi32, #tpu.memory_space<vmem>>
      %dma_start3A_131 = tpu.memref_slice %arg3[%add3A_19] : memref<160000xi32, #tpu.memory_space<hbm>> -> memref<8xi32, #tpu.memory_space<hbm>>
      %dma_start3A_132 = arith.constant 0 : i32
      %dma_start3A_133 = tpu.memref_slice %arg10[%dma_start3A_132] : memref<16xi32, #tpu.memory_space<vmem>> -> memref<8xi32, #tpu.memory_space<vmem>>
      %dma_start3A_134 = tpu.memref_slice %arg3[%add3A_19] : memref<160000xi32, #tpu.memory_space<hbm>> -> memref<8xi32, #tpu.memory_space<hbm>>
      tpu.enqueue_dma source(%dma_start3A_134 : memref<8xi32, #tpu.memory_space<hbm>>) target(%dma_start3A_133 : memref<8xi32, #tpu.memory_space<vmem>>) target_semaphore(%run_scoped3A : memref<!tpu.dma_semaphore, #tpu.memory_space<semaphore_mem>>)
      %dma_wait3A = arith.constant 0 : i32
      %dma_wait3A_135 = tpu.memref_slice %arg10[%dma_wait3A] : memref<16xi32, #tpu.memory_space<vmem>> -> memref<8xi32, #tpu.memory_space<vmem>>
      %dma_wait3A_136 = tpu.memref_slice %arg3[%add3A_19] : memref<160000xi32, #tpu.memory_space<hbm>> -> memref<8xi32, #tpu.memory_space<hbm>>
      %dma_wait3A_137 = arith.constant 0 : i32
      %dma_wait3A_138 = tpu.memref_slice %arg10[%dma_wait3A_137] : memref<16xi32, #tpu.memory_space<vmem>> -> memref<8xi32, #tpu.memory_space<vmem>>
      %dma_wait3A_139 = tpu.memref_slice %arg3[%add3A_19] : memref<160000xi32, #tpu.memory_space<hbm>> -> memref<8xi32, #tpu.memory_space<hbm>>
      tpu.wait_dma2 semaphore(%run_scoped3A : memref<!tpu.dma_semaphore, #tpu.memory_space<semaphore_mem>>) src(%dma_wait3A_139 : memref<8xi32, #tpu.memory_space<hbm>>) dst(%dma_wait3A_138 : memref<8xi32, #tpu.memory_space<vmem>>)
      tpu.yield
    }) : () -> ()
    %mul3A_22 = arith.constant 16 : i32
    %mul3A_23 = arith.muli %add3A_19, %mul3A_22 : i32
    "tpu.region"() ({
      %run_scoped3A = tpu.sem_alloc : memref<!tpu.dma_semaphore, #tpu.memory_space<semaphore_mem>>
      %dma_start3A = arith.constant 0 : i32
      %dma_start3A_130 = tpu.memref_slice %arg11[%dma_start3A] : memref<256xf32, #tpu.memory_space<vmem>> -> memref<128xf32, #tpu.memory_space<vmem>>
      %dma_start3A_131 = tpu.memref_slice %arg2[%mul3A_23] : memref<2560000xf32, #tpu.memory_space<hbm>> -> memref<128xf32, #tpu.memory_space<hbm>>
      %dma_start3A_132 = arith.constant 0 : i32
      %dma_start3A_133 = tpu.memref_slice %arg11[%dma_start3A_132] : memref<256xf32, #tpu.memory_space<vmem>> -> memref<128xf32, #tpu.memory_space<vmem>>
      %dma_start3A_134 = tpu.memref_slice %arg2[%mul3A_23] : memref<2560000xf32, #tpu.memory_space<hbm>> -> memref<128xf32, #tpu.memory_space<hbm>>
      tpu.enqueue_dma source(%dma_start3A_134 : memref<128xf32, #tpu.memory_space<hbm>>) target(%dma_start3A_133 : memref<128xf32, #tpu.memory_space<vmem>>) target_semaphore(%run_scoped3A : memref<!tpu.dma_semaphore, #tpu.memory_space<semaphore_mem>>)
      %dma_wait3A = arith.constant 0 : i32
      %dma_wait3A_135 = tpu.memref_slice %arg11[%dma_wait3A] : memref<256xf32, #tpu.memory_space<vmem>> -> memref<128xf32, #tpu.memory_space<vmem>>
      %dma_wait3A_136 = tpu.memref_slice %arg2[%mul3A_23] : memref<2560000xf32, #tpu.memory_space<hbm>> -> memref<128xf32, #tpu.memory_space<hbm>>
      %dma_wait3A_137 = arith.constant 0 : i32
      %dma_wait3A_138 = tpu.memref_slice %arg11[%dma_wait3A_137] : memref<256xf32, #tpu.memory_space<vmem>> -> memref<128xf32, #tpu.memory_space<vmem>>
      %dma_wait3A_139 = tpu.memref_slice %arg2[%mul3A_23] : memref<2560000xf32, #tpu.memory_space<hbm>> -> memref<128xf32, #tpu.memory_space<hbm>>
      tpu.wait_dma2 semaphore(%run_scoped3A : memref<!tpu.dma_semaphore, #tpu.memory_space<semaphore_mem>>) src(%dma_wait3A_139 : memref<128xf32, #tpu.memory_space<hbm>>) dst(%dma_wait3A_138 : memref<128xf32, #tpu.memory_space<vmem>>)
      tpu.yield
    }) : () -> ()
    %get3A = arith.constant 0 : index
    %get3A_24 = tpu.vector_load %arg10[%get3A] {strides = array<i32>} : memref<16xi32, #tpu.memory_space<vmem>>, vector<16xi32>,
    %lt3A = arith.constant 8 : i32
    %lt3A_25 = vector.broadcast %lt3A : i32 to vector<16xi32>
    %lt3A_26 = arith.cmpi slt, %iota3A, %lt3A_25 : vector<16xi32>
    %mul3A_27 = arith.constant 16 : i32
    %mul3A_28 = vector.broadcast %mul3A_27 : i32 to vector<16xi32>
    %mul3A_29 = arith.muli %iota3A, %mul3A_28 : vector<16xi32>
    %add3A_30 = arith.constant 0 : i32
    %add3A_31 = vector.broadcast %add3A_30 : i32 to vector<16xi32>
    %add3A_32 = arith.addi %mul3A_29, %add3A_31 : vector<16xi32>
    %gather3A = tpu.vector_load_idx %arg11[%add3A_32] : memref<256xf32, #tpu.memory_space<vmem>>[vector<16xi32>], vector<16xf32>,
    %mul3A_33 = arith.constant 8 : i32
    %mul3A_34 = vector.broadcast %mul3A_33 : i32 to vector<16xi32>
    %mul3A_35 = arith.muli %get3A_24, %mul3A_34 : vector<16xi32>
    %add3A_36 = arith.constant 0 : i32
    %add3A_37 = vector.broadcast %add3A_36 : i32 to vector<16xi32>
    %add3A_38 = arith.addi %mul3A_35, %add3A_37 : vector<16xi32>
    tpu.vector_store_idx %arg12[%add3A_38], %gather3A masked %lt3A_26 {add = true} : memref<80896xf32, #tpu.memory_space<vmem>>[vector<16xi32>], vector<16xf32>, vector<16xi1>
    %mul3A_39 = arith.constant 16 : i32
    %mul3A_40 = vector.broadcast %mul3A_39 : i32 to vector<16xi32>
    %mul3A_41 = arith.muli %iota3A, %mul3A_40 : vector<16xi32>
    %add3A_42 = arith.constant 1 : i32
    %add3A_43 = vector.broadcast %add3A_42 : i32 to vector<16xi32>
    %add3A_44 = arith.addi %mul3A_41, %add3A_43 : vector<16xi32>
    %gather3A_45 = tpu.vector_load_idx %arg11[%add3A_44] : memref<256xf32, #tpu.memory_space<vmem>>[vector<16xi32>], vector<16xf32>,
    %mul3A_46 = arith.constant 8 : i32
    %mul3A_47 = vector.broadcast %mul3A_46 : i32 to vector<16xi32>
    %mul3A_48 = arith.muli %get3A_24, %mul3A_47 : vector<16xi32>
    %add3A_49 = arith.constant 1 : i32
    %add3A_50 = vector.broadcast %add3A_49 : i32 to vector<16xi32>
    %add3A_51 = arith.addi %mul3A_48, %add3A_50 : vector<16xi32>
    tpu.vector_store_idx %arg12[%add3A_51], %gather3A_45 masked %lt3A_26 {add = true} : memref<80896xf32, #tpu.memory_space<vmem>>[vector<16xi32>], vector<16xf32>, vector<16xi1>
    %mul3A_52 = arith.constant 16 : i32
    %mul3A_53 = vector.broadcast %mul3A_52 : i32 to vector<16xi32>
    %mul3A_54 = arith.muli %iota3A, %mul3A_53 : vector<16xi32>
    %add3A_55 = arith.constant 2 : i32
    %add3A_56 = vector.broadcast %add3A_55 : i32 to vector<16xi32>
    %add3A_57 = arith.addi %mul3A_54, %add3A_56 : vector<16xi32>
    %gather3A_58 = tpu.vector_load_idx %arg11[%add3A_57] : memref<256xf32, #tpu.memory_space<vmem>>[vector<16xi32>], vector<16xf32>,
    %mul3A_59 = arith.constant 8 : i32
    %mul3A_60 = vector.broadcast %mul3A_59 : i32 to vector<16xi32>
    %mul3A_61 = arith.muli %get3A_24, %mul3A_60 : vector<16xi32>
    %add3A_62 = arith.constant 2 : i32
    %add3A_63 = vector.broadcast %add3A_62 : i32 to vector<16xi32>
    %add3A_64 = arith.addi %mul3A_61, %add3A_63 : vector<16xi32>
    tpu.vector_store_idx %arg12[%add3A_64], %gather3A_58 masked %lt3A_26 {add = true} : memref<80896xf32, #tpu.memory_space<vmem>>[vector<16xi32>], vector<16xf32>, vector<16xi1>
    %mul3A_65 = arith.constant 16 : i32
    %mul3A_66 = vector.broadcast %mul3A_65 : i32 to vector<16xi32>
    %mul3A_67 = arith.muli %iota3A, %mul3A_66 : vector<16xi32>
    %add3A_68 = arith.constant 3 : i32
    %add3A_69 = vector.broadcast %add3A_68 : i32 to vector<16xi32>
    %add3A_70 = arith.addi %mul3A_67, %add3A_69 : vector<16xi32>
    %gather3A_71 = tpu.vector_load_idx %arg11[%add3A_70] : memref<256xf32, #tpu.memory_space<vmem>>[vector<16xi32>], vector<16xf32>,
    %mul3A_72 = arith.constant 8 : i32
    %mul3A_73 = vector.broadcast %mul3A_72 : i32 to vector<16xi32>
    %mul3A_74 = arith.muli %get3A_24, %mul3A_73 : vector<16xi32>
    %add3A_75 = arith.constant 3 : i32
    %add3A_76 = vector.broadcast %add3A_75 : i32 to vector<16xi32>
    %add3A_77 = arith.addi %mul3A_74, %add3A_76 : vector<16xi32>
    tpu.vector_store_idx %arg12[%add3A_77], %gather3A_71 masked %lt3A_26 {add = true} : memref<80896xf32, #tpu.memory_space<vmem>>[vector<16xi32>], vector<16xf32>, vector<16xi1>
    %mul3A_78 = arith.constant 16 : i32
    %mul3A_79 = vector.broadcast %mul3A_78 : i32 to vector<16xi32>
    %mul3A_80 = arith.muli %iota3A, %mul3A_79 : vector<16xi32>
    %add3A_81 = arith.constant 4 : i32
    %add3A_82 = vector.broadcast %add3A_81 : i32 to vector<16xi32>
    %add3A_83 = arith.addi %mul3A_80, %add3A_82 : vector<16xi32>
    %gather3A_84 = tpu.vector_load_idx %arg11[%add3A_83] : memref<256xf32, #tpu.memory_space<vmem>>[vector<16xi32>], vector<16xf32>,
    %mul3A_85 = arith.constant 8 : i32
    %mul3A_86 = vector.broadcast %mul3A_85 : i32 to vector<16xi32>
    %mul3A_87 = arith.muli %get3A_24, %mul3A_86 : vector<16xi32>
    %add3A_88 = arith.constant 4 : i32
    %add3A_89 = vector.broadcast %add3A_88 : i32 to vector<16xi32>
    %add3A_90 = arith.addi %mul3A_87, %add3A_89 : vector<16xi32>
    tpu.vector_store_idx %arg12[%add3A_90], %gather3A_84 masked %lt3A_26 {add = true} : memref<80896xf32, #tpu.memory_space<vmem>>[vector<16xi32>], vector<16xf32>, vector<16xi1>
    %mul3A_91 = arith.constant 16 : i32
    %mul3A_92 = vector.broadcast %mul3A_91 : i32 to vector<16xi32>
    %mul3A_93 = arith.muli %iota3A, %mul3A_92 : vector<16xi32>
    %add3A_94 = arith.constant 5 : i32
    %add3A_95 = vector.broadcast %add3A_94 : i32 to vector<16xi32>
    %add3A_96 = arith.addi %mul3A_93, %add3A_95 : vector<16xi32>
    %gather3A_97 = tpu.vector_load_idx %arg11[%add3A_96] : memref<256xf32, #tpu.memory_space<vmem>>[vector<16xi32>], vector<16xf32>,
    %mul3A_98 = arith.constant 8 : i32
    %mul3A_99 = vector.broadcast %mul3A_98 : i32 to vector<16xi32>
    %mul3A_100 = arith.muli %get3A_24, %mul3A_99 : vector<16xi32>
    %add3A_101 = arith.constant 5 : i32
    %add3A_102 = vector.broadcast %add3A_101 : i32 to vector<16xi32>
    %add3A_103 = arith.addi %mul3A_100, %add3A_102 : vector<16xi32>
    tpu.vector_store_idx %arg12[%add3A_103], %gather3A_97 masked %lt3A_26 {add = true} : memref<80896xf32, #tpu.memory_space<vmem>>[vector<16xi32>], vector<16xf32>, vector<16xi1>
    %mul3A_104 = arith.constant 16 : i32
    %mul3A_105 = vector.broadcast %mul3A_104 : i32 to vector<16xi32>
    %mul3A_106 = arith.muli %iota3A, %mul3A_105 : vector<16xi32>
    %add3A_107 = arith.constant 6 : i32
    %add3A_108 = vector.broadcast %add3A_107 : i32 to vector<16xi32>
    %add3A_109 = arith.addi %mul3A_106, %add3A_108 : vector<16xi32>
    %gather3A_110 = tpu.vector_load_idx %arg11[%add3A_109] : memref<256xf32, #tpu.memory_space<vmem>>[vector<16xi32>], vector<16xf32>,
    %mul3A_111 = arith.constant 8 : i32
    %mul3A_112 = vector.broadcast %mul3A_111 : i32 to vector<16xi32>
    %mul3A_113 = arith.muli %get3A_24, %mul3A_112 : vector<16xi32>
    %add3A_114 = arith.constant 6 : i32
    %add3A_115 = vector.broadcast %add3A_114 : i32 to vector<16xi32>
    %add3A_116 = arith.addi %mul3A_113, %add3A_115 : vector<16xi32>
    tpu.vector_store_idx %arg12[%add3A_116], %gather3A_110 masked %lt3A_26 {add = true} : memref<80896xf32, #tpu.memory_space<vmem>>[vector<16xi32>], vector<16xf32>, vector<16xi1>
    %mul3A_117 = arith.constant 16 : i32
    %mul3A_118 = vector.broadcast %mul3A_117 : i32 to vector<16xi32>
    %mul3A_119 = arith.muli %iota3A, %mul3A_118 : vector<16xi32>
    %add3A_120 = arith.constant 7 : i32
    %add3A_121 = vector.broadcast %add3A_120 : i32 to vector<16xi32>
    %add3A_122 = arith.addi %mul3A_119, %add3A_121 : vector<16xi32>
    %gather3A_123 = tpu.vector_load_idx %arg11[%add3A_122] : memref<256xf32, #tpu.memory_space<vmem>>[vector<16xi32>], vector<16xf32>,
    %mul3A_124 = arith.constant 8 : i32
    %mul3A_125 = vector.broadcast %mul3A_124 : i32 to vector<16xi32>
    %mul3A_126 = arith.muli %get3A_24, %mul3A_125 : vector<16xi32>
    %add3A_127 = arith.constant 7 : i32
    %add3A_128 = vector.broadcast %add3A_127 : i32 to vector<16xi32>
    %add3A_129 = arith.addi %mul3A_126, %add3A_128 : vector<16xi32>
    tpu.vector_store_idx %arg12[%add3A_129], %gather3A_123 masked %lt3A_26 {add = true} : memref<80896xf32, #tpu.memory_space<vmem>>[vector<16xi32>], vector<16xf32>, vector<16xi1>
    "tpu.region"() ({
      %run_scoped3A = tpu.sem_alloc : memref<!tpu.dma_semaphore, #tpu.memory_space<semaphore_mem>>
      %dma_start3A = arith.constant 0 : i32
      %dma_start3A_130 = tpu.memref_slice %arg5[%add3A, %dma_start3A] : memref<32x80896xf32, #tpu.memory_space<hbm>> -> memref<1x80896xf32, #tpu.memory_space<hbm>>
      %dma_start3A_131 = tpu.memref_squeeze %dma_start3A_130 : memref<1x80896xf32, #tpu.memory_space<hbm>> -> memref<80896xf32, #tpu.memory_space<hbm>>
      %dma_start3A_132 = arith.constant 0 : i32
      %dma_start3A_133 = tpu.memref_slice %arg5[%add3A, %dma_start3A_132] : memref<32x80896xf32, #tpu.memory_space<hbm>> -> memref<1x80896xf32, #tpu.memory_space<hbm>>
      %dma_start3A_134 = tpu.memref_squeeze %dma_start3A_133 : memref<1x80896xf32, #tpu.memory_space<hbm>> -> memref<80896xf32, #tpu.memory_space<hbm>>
      tpu.enqueue_dma source(%arg12 : memref<80896xf32, #tpu.memory_space<vmem>>) target(%dma_start3A_134 : memref<80896xf32, #tpu.memory_space<hbm>>) target_semaphore(%run_scoped3A : memref<!tpu.dma_semaphore, #tpu.memory_space<semaphore_mem>>)
      %dma_wait3A = arith.constant 0 : i32
      %dma_wait3A_135 = tpu.memref_slice %arg5[%add3A, %dma_wait3A] : memref<32x80896xf32, #tpu.memory_space<hbm>> -> memref<1x80896xf32, #tpu.memory_space<hbm>>
      %dma_wait3A_136 = tpu.memref_squeeze %dma_wait3A_135 : memref<1x80896xf32, #tpu.memory_space<hbm>> -> memref<80896xf32, #tpu.memory_space<hbm>>
      %dma_wait3A_137 = arith.constant 0 : i32
      %dma_wait3A_138 = tpu.memref_slice %arg5[%add3A, %dma_wait3A_137] : memref<32x80896xf32, #tpu.memory_space<hbm>> -> memref<1x80896xf32, #tpu.memory_space<hbm>>
      %dma_wait3A_139 = tpu.memref_squeeze %dma_wait3A_138 : memref<1x80896xf32, #tpu.memory_space<hbm>> -> memref<80896xf32, #tpu.memory_space<hbm>>
      tpu.wait_dma2 semaphore(%run_scoped3A : memref<!tpu.dma_semaphore, #tpu.memory_space<semaphore_mem>>) src(%arg12 : memref<80896xf32, #tpu.memory_space<vmem>>) dst(%dma_wait3A_139 : memref<80896xf32, #tpu.memory_space<hbm>>)
      tpu.yield
    }) : () -> ()
    return
  }
}

module attributes {stable_mosaic.version = 14 : i64} {
  func.func @edge_body(%arg0: i32, %arg1: memref<3200x16xf32, #tpu.memory_space<vmem>>, %arg2: memref<3200x128xf32, #tpu.memory_space<vmem>>, %arg3: memref<17x1024xf32, #tpu.memory_space<vmem>>, %arg4: memref<1024x16xf32, #tpu.memory_space<vmem>>, %arg5: memref<3200x16xf32, #tpu.memory_space<vmem>>) attributes {dimension_semantics = [#tpu.dimension_semantics<arbitrary>], iteration_bounds = array<i64: 50>, scalar_prefetch = 0 : i64, scratch_operands = 0 : i64, tpu.core_type = #tpu.core_type<tc>, window_params = [{transform_indices = @transform_0, window_bounds = array<i64: 3200, 16>}, {transform_indices = @transform_1, window_bounds = array<i64: 3200, 128>}, {pipeline_mode = #tpu.pipeline_mode<synchronous>, transform_indices = @transform_2, window_bounds = array<i64: 17, 1024>}, {pipeline_mode = #tpu.pipeline_mode<synchronous>, transform_indices = @transform_3, window_bounds = array<i64: 1024, 16>}, {transform_indices = @transform_4, window_bounds = array<i64: 3200, 16>}]} {
    %get3A = arith.constant 0 : index
    %get3A_0 = arith.constant 0 : index
    %get3A_1 = vector.load %arg1[%get3A, %get3A_0] : memref<3200x16xf32, #tpu.memory_space<vmem>>, vector<3200x16xf32>
    %broadcast_in_dim3A = arith.constant 1.000000e+00 : f32
    %broadcast_in_dim3A_2 = vector.broadcast %broadcast_in_dim3A : f32 to vector<3200x1xf32>
    %concatenate3A = tpu.concatenate %get3A_1, %broadcast_in_dim3A_2 in 1 : vector<3200x16xf32>, vector<3200x1xf32> -> vector<3200x17xf32>
    %get3A_3 = arith.constant 0 : index
    %get3A_4 = arith.constant 0 : index
    %get3A_5 = vector.load %arg3[%get3A_3, %get3A_4] : memref<17x1024xf32, #tpu.memory_space<vmem>>, vector<17x1024xf32>
    %dot_general3A = arith.constant dense<0.000000e+00> : vector<3200x1024xf32>
    %dot_general3A_6 = tpu.matmul %concatenate3A, %get3A_5, %dot_general3A {dimension_numbers = #tpu.dot_dimension_numbers<[1], [0], [0], [1], [0, 0, 1, 1], [], []>, transpose_lhs_hint = false} : vector<3200x17xf32>, vector<17x1024xf32>, vector<3200x1024xf32> -> vector<3200x1024xf32>
    %max3A = arith.constant 0.000000e+00 : f32
    %max3A_7 = vector.broadcast %max3A : f32 to vector<3200x1024xf32>
    %max3A_8 = arith.maximumf %dot_general3A_6, %max3A_7 : vector<3200x1024xf32>
    %get3A_9 = arith.constant 0 : index
    %get3A_10 = arith.constant 0 : index
    %get3A_11 = vector.load %arg2[%get3A_9, %get3A_10] : memref<3200x128xf32, #tpu.memory_space<vmem>>, vector<3200x128xf32>
    %concatenate3A_12 = tpu.concatenate %get3A_11, %get3A_11, %get3A_11, %get3A_11, %get3A_11, %get3A_11, %get3A_11, %get3A_11 in 1 : vector<3200x128xf32>, vector<3200x128xf32>, vector<3200x128xf32>, vector<3200x128xf32>, vector<3200x128xf32>, vector<3200x128xf32>, vector<3200x128xf32>, vector<3200x128xf32> -> vector<3200x1024xf32>
    %mul3A = arith.mulf %max3A_8, %concatenate3A_12 : vector<3200x1024xf32>
    %get3A_13 = arith.constant 0 : index
    %get3A_14 = arith.constant 0 : index
    %get3A_15 = vector.load %arg4[%get3A_13, %get3A_14] : memref<1024x16xf32, #tpu.memory_space<vmem>>, vector<1024x16xf32>
    %dot_general3A_16 = arith.constant dense<0.000000e+00> : vector<3200x16xf32>
    %dot_general3A_17 = tpu.matmul %mul3A, %get3A_15, %dot_general3A_16 {dimension_numbers = #tpu.dot_dimension_numbers<[1], [0], [0], [1], [0, 0, 1, 1], [], []>, transpose_lhs_hint = false} : vector<3200x1024xf32>, vector<1024x16xf32>, vector<3200x16xf32> -> vector<3200x16xf32>
    %swap3A = arith.constant 0 : index
    %swap3A_18 = arith.constant 0 : index
    %swap3A_19 = vector.load %arg5[%swap3A, %swap3A_18] : memref<3200x16xf32, #tpu.memory_space<vmem>>, vector<3200x16xf32>
    tpu.vector_store %arg5[%swap3A, %swap3A_18], %dot_general3A_17 {strides = array<i32>} : memref<3200x16xf32, #tpu.memory_space<vmem>>, vector<3200x16xf32>,
    return
  }
  func.func @transform_0(%arg0: i32) -> (i32, i32) {
    %c0_i32 = arith.constant 0 : i32
    %c0_i32_0 = arith.constant 0 : i32
    return %arg0, %c0_i32 : i32, i32
  }
  func.func @transform_1(%arg0: i32) -> (i32, i32) {
    %c0_i32 = arith.constant 0 : i32
    %c0_i32_0 = arith.constant 0 : i32
    return %arg0, %c0_i32 : i32, i32
  }
  func.func @transform_2(%arg0: i32) -> (i32, i32) {
    %c0_i32 = arith.constant 0 : i32
    %c0_i32_0 = arith.constant 0 : i32
    %c0_i32_1 = arith.constant 0 : i32
    return %c0_i32, %c0_i32_0 : i32, i32
  }
  func.func @transform_3(%arg0: i32) -> (i32, i32) {
    %c0_i32 = arith.constant 0 : i32
    %c0_i32_0 = arith.constant 0 : i32
    %c0_i32_1 = arith.constant 0 : i32
    return %c0_i32, %c0_i32_0 : i32, i32
  }
  func.func @transform_4(%arg0: i32) -> (i32, i32) {
    %c0_i32 = arith.constant 0 : i32
    %c0_i32_0 = arith.constant 0 : i32
    return %arg0, %c0_i32 : i32, i32
  }
}

module attributes {stable_mosaic.version = 14 : i64} {
  func.func @node_body(%arg0: i32, %arg1: memref<32x1000x8xf32, #tpu.memory_space<vmem>>, %arg2: memref<1000x128xf32, #tpu.memory_space<vmem>>, %arg3: memref<128x8xf32, #tpu.memory_space<vmem>>, %arg4: memref<8x64xf32, #tpu.memory_space<vmem>>, %arg5: memref<64x64xf32, #tpu.memory_space<vmem>>, %arg6: memref<64x8xf32, #tpu.memory_space<vmem>>, %arg7: memref<8x64xf32, #tpu.memory_space<vmem>>, %arg8: memref<1000x8xf32, #tpu.memory_space<vmem>>) attributes {dimension_semantics = [#tpu.dimension_semantics<arbitrary>], iteration_bounds = array<i64: 10>, scalar_prefetch = 0 : i64, scratch_operands = 0 : i64, tpu.core_type = #tpu.core_type<tc>, window_params = [{transform_indices = @transform_0, window_bounds = array<i64: 32, 1000, 8>}, {transform_indices = @transform_1, window_bounds = array<i64: 1000, 128>}, {pipeline_mode = #tpu.pipeline_mode<synchronous>, transform_indices = @transform_2, window_bounds = array<i64: 128, 8>}, {pipeline_mode = #tpu.pipeline_mode<synchronous>, transform_indices = @transform_3, window_bounds = array<i64: 8, 64>}, {pipeline_mode = #tpu.pipeline_mode<synchronous>, transform_indices = @transform_4, window_bounds = array<i64: 64, 64>}, {pipeline_mode = #tpu.pipeline_mode<synchronous>, transform_indices = @transform_5, window_bounds = array<i64: 64, 8>}, {pipeline_mode = #tpu.pipeline_mode<synchronous>, transform_indices = @transform_6, window_bounds = array<i64: 8, 64>}, {transform_indices = @transform_7, window_bounds = array<i64: 1000, 8>}]} {
    %get3A = arith.constant 0 : index
    %get3A_0 = arith.constant 0 : index
    %get3A_1 = vector.load %arg7[%get3A, %get3A_0] : memref<8x64xf32, #tpu.memory_space<vmem>>, vector<8x64xf32>
    %get3A_2 = arith.constant 0 : index
    %get3A_3 = arith.constant 0 : index
    %get3A_4 = arith.constant 0 : index
    %get3A_5 = vector.load %arg1[%get3A_2, %get3A_3, %get3A_4] : memref<32x1000x8xf32, #tpu.memory_space<vmem>>, vector<32x1000x8xf32>
    %reduce_sum3A = arith.constant dense<0.000000e+00> : vector<1000x8xf32>
    %reduce_sum3A_6 = vector.multi_reduction <add>, %get3A_5, %reduce_sum3A [0] : vector<32x1000x8xf32> to vector<1000x8xf32>
    %get3A_7 = arith.constant 0 : index
    %get3A_8 = arith.constant 0 : index
    %get3A_9 = vector.load %arg2[%get3A_7, %get3A_8] : memref<1000x128xf32, #tpu.memory_space<vmem>>, vector<1000x128xf32>
    %get3A_10 = arith.constant 0 : index
    %get3A_11 = arith.constant 0 : index
    %get3A_12 = vector.load %arg3[%get3A_10, %get3A_11] : memref<128x8xf32, #tpu.memory_space<vmem>>, vector<128x8xf32>
    %dot_general3A = arith.constant dense<0.000000e+00> : vector<1000x8xf32>
    %dot_general3A_13 = tpu.matmul %get3A_9, %get3A_12, %dot_general3A {dimension_numbers = #tpu.dot_dimension_numbers<[1], [0], [0], [1], [0, 0, 1, 1], [], []>, transpose_lhs_hint = false} : vector<1000x128xf32>, vector<128x8xf32>, vector<1000x8xf32> -> vector<1000x8xf32>
    %add3A = arith.addf %reduce_sum3A_6, %dot_general3A_13 : vector<1000x8xf32>
    %slice3A = vector.extract_strided_slice %get3A_1 {offsets = [0, 0], sizes = [1, 8], strides = [1, 1]} : vector<8x64xf32> to vector<1x8xf32>
    %add3A_14 = vector.broadcast %slice3A : vector<1x8xf32> to vector<1000x8xf32>
    %add3A_15 = arith.addf %add3A, %add3A_14 : vector<1000x8xf32>
    %reduce_sum3A_16 = arith.constant dense<0.000000e+00> : vector<1000xf32>
    %reduce_sum3A_17 = vector.multi_reduction <add>, %add3A_15, %reduce_sum3A_16 [1] : vector<1000x8xf32> to vector<1000xf32>
    %broadcast_in_dim3A = vector.shape_cast %reduce_sum3A_17 : vector<1000xf32> to vector<1000x1xf32>
    %div3A = arith.constant 8.000000e+00 : f32
    %div3A_18 = vector.broadcast %div3A : f32 to vector<1000x1xf32>
    %div3A_19 = arith.divf %broadcast_in_dim3A, %div3A_18 : vector<1000x1xf32>
    %sub3A = vector.broadcast %div3A_19 : vector<1000x1xf32> to vector<1000x8xf32>
    %sub3A_20 = arith.subf %add3A_15, %sub3A : vector<1000x8xf32>
    %integer_pow3A = arith.mulf %sub3A_20, %sub3A_20 : vector<1000x8xf32>
    %reduce_sum3A_21 = arith.constant dense<0.000000e+00> : vector<1000xf32>
    %reduce_sum3A_22 = vector.multi_reduction <add>, %integer_pow3A, %reduce_sum3A_21 [1] : vector<1000x8xf32> to vector<1000xf32>
    %broadcast_in_dim3A_23 = vector.shape_cast %reduce_sum3A_22 : vector<1000xf32> to vector<1000x1xf32>
    %div3A_24 = arith.constant 8.000000e+00 : f32
    %div3A_25 = vector.broadcast %div3A_24 : f32 to vector<1000x1xf32>
    %div3A_26 = arith.divf %broadcast_in_dim3A_23, %div3A_25 : vector<1000x1xf32>
    %sub3A_27 = vector.broadcast %div3A_19 : vector<1000x1xf32> to vector<1000x8xf32>
    %sub3A_28 = arith.subf %add3A_15, %sub3A_27 : vector<1000x8xf32>
    %add3A_29 = arith.constant 9.99999974E-6 : f32
    %add3A_30 = vector.broadcast %add3A_29 : f32 to vector<1000x1xf32>
    %add3A_31 = arith.addf %div3A_26, %add3A_30 : vector<1000x1xf32>
    %rsqrt3A = math.rsqrt %add3A_31 : vector<1000x1xf32>
    %mul3A = vector.broadcast %rsqrt3A : vector<1000x1xf32> to vector<1000x8xf32>
    %mul3A_32 = arith.mulf %sub3A_28, %mul3A : vector<1000x8xf32>
    %slice3A_33 = vector.extract_strided_slice %get3A_1 {offsets = [1, 0], sizes = [1, 8], strides = [1, 1]} : vector<8x64xf32> to vector<1x8xf32>
    %mul3A_34 = vector.broadcast %slice3A_33 : vector<1x8xf32> to vector<1000x8xf32>
    %mul3A_35 = arith.mulf %mul3A_32, %mul3A_34 : vector<1000x8xf32>
    %slice3A_36 = vector.extract_strided_slice %get3A_1 {offsets = [2, 0], sizes = [1, 8], strides = [1, 1]} : vector<8x64xf32> to vector<1x8xf32>
    %add3A_37 = vector.broadcast %slice3A_36 : vector<1x8xf32> to vector<1000x8xf32>
    %add3A_38 = arith.addf %mul3A_35, %add3A_37 : vector<1000x8xf32>
    %max3A = arith.constant 0.000000e+00 : f32
    %max3A_39 = vector.broadcast %max3A : f32 to vector<1000x8xf32>
    %max3A_40 = arith.maximumf %add3A_38, %max3A_39 : vector<1000x8xf32>
    %get3A_41 = arith.constant 0 : index
    %get3A_42 = arith.constant 0 : index
    %get3A_43 = vector.load %arg4[%get3A_41, %get3A_42] : memref<8x64xf32, #tpu.memory_space<vmem>>, vector<8x64xf32>
    %dot_general3A_44 = arith.constant dense<0.000000e+00> : vector<1000x64xf32>
    %dot_general3A_45 = tpu.matmul %max3A_40, %get3A_43, %dot_general3A_44 {dimension_numbers = #tpu.dot_dimension_numbers<[1], [0], [0], [1], [0, 0, 1, 1], [], []>, transpose_lhs_hint = false} : vector<1000x8xf32>, vector<8x64xf32>, vector<1000x64xf32> -> vector<1000x64xf32>
    %slice3A_46 = vector.extract_strided_slice %get3A_1 {offsets = [3, 0], sizes = [1, 64], strides = [1, 1]} : vector<8x64xf32> to vector<1x64xf32>
    %add3A_47 = vector.broadcast %slice3A_46 : vector<1x64xf32> to vector<1000x64xf32>
    %add3A_48 = arith.addf %dot_general3A_45, %add3A_47 : vector<1000x64xf32>
    %get3A_49 = arith.constant 0 : index
    %get3A_50 = arith.constant 0 : index
    %get3A_51 = vector.load %arg5[%get3A_49, %get3A_50] : memref<64x64xf32, #tpu.memory_space<vmem>>, vector<64x64xf32>
    %dot_general3A_52 = arith.constant dense<0.000000e+00> : vector<1000x64xf32>
    %dot_general3A_53 = tpu.matmul %add3A_48, %get3A_51, %dot_general3A_52 {dimension_numbers = #tpu.dot_dimension_numbers<[1], [0], [0], [1], [0, 0, 1, 1], [], []>, transpose_lhs_hint = false} : vector<1000x64xf32>, vector<64x64xf32>, vector<1000x64xf32> -> vector<1000x64xf32>
    %slice3A_54 = vector.extract_strided_slice %get3A_1 {offsets = [4, 0], sizes = [1, 64], strides = [1, 1]} : vector<8x64xf32> to vector<1x64xf32>
    %add3A_55 = vector.broadcast %slice3A_54 : vector<1x64xf32> to vector<1000x64xf32>
    %add3A_56 = arith.addf %dot_general3A_53, %add3A_55 : vector<1000x64xf32>
    %max3A_57 = arith.constant 0.000000e+00 : f32
    %max3A_58 = vector.broadcast %max3A_57 : f32 to vector<1000x64xf32>
    %max3A_59 = arith.maximumf %add3A_56, %max3A_58 : vector<1000x64xf32>
    %get3A_60 = arith.constant 0 : index
    %get3A_61 = arith.constant 0 : index
    %get3A_62 = vector.load %arg6[%get3A_60, %get3A_61] : memref<64x8xf32, #tpu.memory_space<vmem>>, vector<64x8xf32>
    %dot_general3A_63 = arith.constant dense<0.000000e+00> : vector<1000x8xf32>
    %dot_general3A_64 = tpu.matmul %max3A_59, %get3A_62, %dot_general3A_63 {dimension_numbers = #tpu.dot_dimension_numbers<[1], [0], [0], [1], [0, 0, 1, 1], [], []>, transpose_lhs_hint = false} : vector<1000x64xf32>, vector<64x8xf32>, vector<1000x8xf32> -> vector<1000x8xf32>
    %slice3A_65 = vector.extract_strided_slice %get3A_1 {offsets = [5, 0], sizes = [1, 8], strides = [1, 1]} : vector<8x64xf32> to vector<1x8xf32>
    %add3A_66 = vector.broadcast %slice3A_65 : vector<1x8xf32> to vector<1000x8xf32>
    %add3A_67 = arith.addf %dot_general3A_64, %add3A_66 : vector<1000x8xf32>
    %swap3A = arith.constant 0 : index
    %swap3A_68 = arith.constant 0 : index
    %swap3A_69 = vector.load %arg8[%swap3A, %swap3A_68] : memref<1000x8xf32, #tpu.memory_space<vmem>>, vector<1000x8xf32>
    tpu.vector_store %arg8[%swap3A, %swap3A_68], %add3A_67 {strides = array<i32>} : memref<1000x8xf32, #tpu.memory_space<vmem>>, vector<1000x8xf32>,
    return
  }
  func.func @transform_0(%arg0: i32) -> (i32, i32, i32) {
    %c0_i32 = arith.constant 0 : i32
    %c0_i32_0 = arith.constant 0 : i32
    %c0_i32_1 = arith.constant 0 : i32
    return %c0_i32, %arg0, %c0_i32_0 : i32, i32, i32
  }
  func.func @transform_1(%arg0: i32) -> (i32, i32) {
    %c0_i32 = arith.constant 0 : i32
    %c0_i32_0 = arith.constant 0 : i32
    return %arg0, %c0_i32 : i32, i32
  }
  func.func @transform_2(%arg0: i32) -> (i32, i32) {
    %c0_i32 = arith.constant 0 : i32
    %c0_i32_0 = arith.constant 0 : i32
    %c0_i32_1 = arith.constant 0 : i32
    return %c0_i32, %c0_i32_0 : i32, i32
  }
  func.func @transform_3(%arg0: i32) -> (i32, i32) {
    %c0_i32 = arith.constant 0 : i32
    %c0_i32_0 = arith.constant 0 : i32
    %c0_i32_1 = arith.constant 0 : i32
    return %c0_i32, %c0_i32_0 : i32, i32
  }
  func.func @transform_4(%arg0: i32) -> (i32, i32) {
    %c0_i32 = arith.constant 0 : i32
    %c0_i32_0 = arith.constant 0 : i32
    %c0_i32_1 = arith.constant 0 : i32
    return %c0_i32, %c0_i32_0 : i32, i32
  }
  func.func @transform_5(%arg0: i32) -> (i32, i32) {
    %c0_i32 = arith.constant 0 : i32
    %c0_i32_0 = arith.constant 0 : i32
    %c0_i32_1 = arith.constant 0 : i32
    return %c0_i32, %c0_i32_0 : i32, i32
  }
  func.func @transform_6(%arg0: i32) -> (i32, i32) {
    %c0_i32 = arith.constant 0 : i32
    %c0_i32_0 = arith.constant 0 : i32
    %c0_i32_1 = arith.constant 0 : i32
    return %c0_i32, %c0_i32_0 : i32, i32
  }
  func.func @transform_7(%arg0: i32) -> (i32, i32) {
    %c0_i32 = arith.constant 0 : i32
    %c0_i32_0 = arith.constant 0 : i32
    return %arg0, %c0_i32 : i32, i32
  }
}

</mosaic_0001>

<sc_bundles>
// kernel: kernel.6.cloned.1.call-start
scs
__scs_entry_jumppad:
0x0: {  	(pc) =	sbr.rel $0x88, $3  }
0x1: {  	(tag) =	ssettag $0x0;
	lr =	simm.s32 $0x1  }
0x2: {  	[smem:$0x3F92] =	sst lr;
	_ =	strace $0xD0000000  }
0x3: {  	_ = 	snop  }
0x4: {  	_ = 	snop  }
0x5: {  	_ = 	snop  }
0x6: {  	_ = 	snop  }
0x7: {  	_ = 	snop  }
__scs_overlays_trampoline_lowered:
0x8: {  	[smem:$0x3FA1] =	sst s0  }
0x9: {  	[smem:$0x3FA2] =	sst s1  }
0xa: {  	[smem:$0x3FA3] =	sst s2  }
0xb: {  	[smem:$0x3FA4] =	sst s3  }
0xc: {  	[smem:$0x3FA5] =	sst s4  }
0xd: {  	[smem:$0x3FA6] =	sst s5  }
0xe: {  	[smem:$0x3FA7] =	sst s6  }
0xf: {  	[smem:$0x3FA8] =	sst s7  }
0x10: {  	[smem:$0x3FA9] =	sst s8  }
0x11: {  	[smem:$0x3FAA] =	sst s9;
	s0 =	simm.s32 @!p0 $0x0  }
0x12: {  	s1 =	sld [smem:$0x3F90];
	s0 =	simm.s32 @p0 $0x1  }
0x13: {  	[smem:$0x3FAB] =	sst s0;
	s0 =	simm.s32 @!p1 $0x0  }
0x14: {  	s2 =	sld [smem:$0x3F8F];
	s0 =	simm.s32 @p1 $0x1  }
0x15: {  	[smem:$0x3FAC] =	sst s0;
	s0 =	simm.s32 @!p2 $0x0  }
0x16: {  	s3 =	sld [smem:$0x3FDB];
	s0 =	simm.s32 @p2 $0x1  }
0x17: {  	s4 =	simm.s32 $0x1BF5;
	[smem:$0x3FAE] =	sst s0  }
0x18: {  	s0 =	sld [smem:$0x3F91];
	_ =	swait.ge [sflag:s4], $0x0  }
0x19: {  	s7 =	sld [smem:$0x3F92]  }
0x1a: {  	s8 =	sadd.s32 $0xFFFFE003, lr  }
0x1b: {  	s9 =	sadd.s32 $0xFFFFFEF7, lr;
	s5 =	simm.s32 $0xFFFFFFFF;
	p2 =	slt.u32 s8, $0xFFFFF086  }
0x1c: {  	p1 =	slt.u32 s9, $0xF7A;
	s5 =	simm.s32 @!p2 $0x0  }
0x1d: {  	s5 =	simm.s32 @p1 $0x1;
	p0 =	seq.s32 s7, s2  }
0x1e: {  	s7 =	smul.u32 @!p0 $0xF7A, s2;
	p2 =	seq.s32 @!p0 s5, $0x0  }
0x1f: {  	s9 =	smul.u32 $0xF7A, s1;
	s8 =	simm.s32 @!p0 $0x1BF5;
	p2 =	por !p2, p0  }
0x20: {  	[sflag:s8] =	ssyncset.s32 @!p0 $0xFFFFF086;
	s6 =	sadd.s32 @!p0 s3, s7;
	s7 =	simm.s32 @!p0 $0x108  }
0x21: {  	s3 =	sadd.s32 s3, s9;
	s6 =	sadd.s32 @!p0 $0x88, s6;
	s7 =	simm.s32 @p2 $0x1082  }
0x22: {  	[simem:s7], [sflag:s8] =	dma.local @!p0 [hbm:s6], $0xF7A  }
0x23: {  	s9 =	sor.u32 $0xD0000000, s2;
	s6 =	simm.s32 $0x108;
	_ =	swait.ge @!p0 [sflag:s8], $0x0  }
0x24: {  	s3 =	sadd.s32 $0x88, s3;
	s6 =	simm.s32 @!p1 $0x1082;
	[sflag:s4] =	ssyncset.s32 $0xFFFFF086  }
0x25: {  	[simem:s6], [sflag:s4] =	dma.local [hbm:s3], $0xF7A  }
0x26: {  	[smem:$0x3F92] =	sst s1;
	(tag) =	ssettag s2;
	_ =	strace s9  }
0x27: {  	s1 =	sld [smem:$0x3FA2]  }
0x28: {  	s2 =	sld [smem:$0x3FA3]  }
0x29: {  	s4 =	sld [smem:$0x3FA5]  }
0x2a: {  	p0 =	seq.s32 s5, $0x0;
	s5 =	sld [smem:$0x3FA6]  }
0x2b: {  	s6 =	sld [smem:$0x3FA7]  }
0x2c: {  	s7 =	sld [smem:$0x3FA8]  }
0x2d: {  	s3 =	simm.s32 $0x108;
	s8 =	sld [smem:$0x3FA9]  }
0x2e: {  	s3 =	simm.s32 @!p0 $0x1082;
	s9 =	sld [smem:$0x3FAA]  }
0x2f: {  	lr =	sadd.s32 s0, s3;
	s0 =	sld [smem:$0x3FA1]  }
0x30: {  	s3 =	sld [smem:$0x3FA4]  }
0x31: {  	[smem:$0x3FAD] =	sst s10  }
0x32: {  	s10 =	sld [smem:$0x3FAB];
	_ =	sdelay $0x3  }
0x33: {  	p0 =	seq.s32 s10, $0x1;
	s10 =	sld [smem:$0x3FAD];
	_ =	sdelay $0x3  }
0x34: {  	[smem:$0x3FAD] =	sst s10  }
0x35: {  	s10 =	sld [smem:$0x3FAC];
	_ =	sdelay $0x3  }
0x36: {  	p1 =	seq.s32 s10, $0x1;
	s10 =	sld [smem:$0x3FAD];
	_ =	sdelay $0x3  }
0x37: {  	[smem:$0x3FAD] =	sst s10  }
0x38: {  	s10 =	sld [smem:$0x3FAE]  }
0x39: {  	_ = 	snop;
	(pc) =	sbr.ind lr, $3  }
0x3a: {  	_ = 	snop  }
0x3b: {  	_ = 	snop  }
0x3c: {  	p2 =	seq.s32 s10, $0x1;
	s10 =	sld [smem:$0x3FAD]  }
0x3d: {  	_ =	shalt  }
0x3e: {  	_ =	shalt  }
0x3f: {  	_ =	shalt  }
0x40: {  	_ =	shalt  }
0x41: {  	_ =	shalt  }
0x42: {  	_ =	shalt  }
0x43: {  	_ =	shalt  }
0x44: {  	_ =	shalt  }
0x45: {  	_ =	shalt  }
0x46: {  	_ =	shalt  }
0x47: {  	_ =	shalt  }
0x48: {  	_ =	shalt  }
0x49: {  	_ =	shalt  }
0x4a: {  	_ =	shalt  }
0x4b: {  	_ =	shalt  }
0x4c: {  	_ =	shalt  }
0x4d: {  	_ =	shalt  }
0x4e: {  	_ =	shalt  }
0x4f: {  	_ =	shalt  }
0x50: {  	_ =	shalt  }
0x51: {  	_ =	shalt  }
0x52: {  	_ =	shalt  }
0x53: {  	_ =	shalt  }
0x54: {  	_ =	shalt  }
0x55: {  	_ =	shalt  }
0x56: {  	_ =	shalt  }
0x57: {  	_ =	shalt  }
0x58: {  	_ =	shalt  }
0x59: {  	_ =	shalt  }
0x5a: {  	_ =	shalt  }
0x5b: {  	_ =	shalt  }
0x5c: {  	_ =	shalt  }
0x5d: {  	_ =	shalt  }
0x5e: {  	_ =	shalt  }
0x5f: {  	_ =	shalt  }
0x60: {  	_ =	shalt  }
0x61: {  	_ =	shalt  }
0x62: {  	_ =	shalt  }
0x63: {  	_ =	shalt  }
0x64: {  	_ =	shalt  }
0x65: {  	_ =	shalt  }
0x66: {  	_ =	shalt  }
0x67: {  	_ =	shalt  }
0x68: {  	_ =	shalt  }
0x69: {  	_ =	shalt  }
0x6a: {  	_ =	shalt  }
0x6b: {  	_ =	shalt  }
0x6c: {  	_ =	shalt  }
0x6d: {  	_ =	shalt  }
0x6e: {  	_ =	shalt  }
0x6f: {  	_ =	shalt  }
0x70: {  	_ =	shalt  }
0x71: {  	_ =	shalt  }
0x72: {  	_ =	shalt  }
0x73: {  	_ =	shalt  }
0x74: {  	_ =	shalt  }
0x75: {  	_ =	shalt  }
0x76: {  	_ =	shalt  }
0x77: {  	_ =	shalt  }
0x78: {  	_ =	shalt  }
0x79: {  	_ =	shalt  }
0x7a: {  	_ =	shalt  }
0x7b: {  	_ =	shalt  }
0x7c: {  	_ =	shalt  }
0x7d: {  	_ =	shalt  }
0x7e: {  	_ =	shalt  }
0x7f: {  	_ =	shalt  }
0x80: {  	_ =	shalt  }
0x81: {  	_ =	shalt  }
0x82: {  	_ =	shalt  }
0x83: {  	_ =	shalt  }
0x84: {  	_ =	shalt  }
0x85: {  	_ =	shalt  }
0x86: {  	_ =	shalt  }
0x87: {  	_ =	shalt  }
.Lfunc_end0:
.L_simem_size_0:
called_computation_lowered:
.L_overlay_start_0:
0x88: {  	s2 =	sld [smem:$0x3FD9]  }
0x89: {  	s3 =	sld [smem:$0x3FFE];
	_ =	sdelay $0x1  }
0x8a: {  	s1 =	srdreg.scid  }
0x8b: {  	s0 =	sand.u32 $0x1, s1  }
0x8c: {  	s17 =	sshll.u32 s0, $0xA;
	s2 =	sadd.s32 s3, s2  }
0x8d: {  	s2 =	sadd.s32 s2, s17  }
0x8e: {  	[smem:$0x3FB9] =	sst s2  }
0x8f: {  	_ = 	snop  }
0x90: {  	s2 =	sld [smem:$0x3FC9];
	(tm) =	ssettm $0x1  }
0x91: {  	s18 =	sld [smem:$0x3FFB];
	_ =	sdelay $0x3  }
0x92: {  	_ =	strace s18  }
0x93: {  	s3 =	sld [smem:$0x3FFC];
	_ =	sdelay $0x3  }
0x94: {  	_ =	strace s3  }
0x95: {  	s3 =	sld [smem:$0x3FFD];
	_ =	sdelay $0x3  }
0x96: {  	_ =	strace s3  }
0x97: {  	_ =	strace $0x8FFFFFFF  }
0x98: {  	s19 =	sld [smem:$0x3FDB];
	_ =	sdelay $0x1  }
0x99: {  	s4 =	simm.s32 $_scs_section_size  }
0x9a: {  	s5 =	simm.s32 $_size__tile_overlayer_lowered;
	s6 =	simm.s32 $_tile_overlayer_lowered  }
0x9b: {  	s22 =	simm.s32 $0x1BFF;
	s21 =	sshll.u32 s6, $0x1;
	s3 =	sadd.s32 s4, s19  }
0x9c: {  	s7 =	simm.s32 $0x0;
	s20 =	sshll.u32 s5, $0x1;
	s5 =	sadd.s32 s21, s3  }
0x9d: {  	[timem:s7], [sflag:s22] =	dma.local [hbm:s5], s20  }
0x9e: {  	_ =	swait.ge [sflag:s22], s20  }
0x9f: {  	s4 =	ssub.s32 $0x0, s20;
	[sflag:s22] =	ssyncset.done $0x0  }
0xa0: {  	[sflag:s22] =	ssyncadd.s32 s4;
	_ =	sdelay $0x1  }
0xa1: {  	s23 =	simm.s32 $0x1B8B  }
0xa2: {  	_ =	swait.ge [sflag:s23], $0x1  }
0xa3: {  	[sflag:s23] =	ssyncset.done $0x0  }
0xa4: {  	s25 =	simm.s32 $0x1B8E;
	s24 =	sld [smem:$0x3FFE];
	[sflag:s23] =	ssyncadd.s32 $0xFFFFFFFF  }
0xa5: {  	s26 =	simm.s32 $execute0_lowered;
	[smem:$0x3FD2] =	sst s25  }
0xa6: {  	s5 =	sshll.u32 s26, $0x1;
	_ =	strace $0x80000046;
	[dreg:$0x1] =	wrdreg $0xFFFFFFFF  }
0xa7: {  	s28 =	simm.s32 $_size_execute0_lowered;
	s3 =	sadd.s32 s3, s5;
	[dreg:$0x0] =	wrdreg $0x0  }
0xa8: {  	s5 =	sshll.u32 s28, $0x1;
	[dreg:$0x2] =	wrdreg s3  }
0xa9: {  	[dreg:$0x3] =	wrdreg s5  }
0xaa: {  	[dreg:$0x4] =	wrdreg $0xC0  }
0xab: {  	_ =	task [dreg:s7], $0x5FFFF  }
0xac: {  	[dreg:$0x1] =	wrdreg $0xFFFFFFFF  }
0xad: {  	[dreg:$0x0] =	wrdreg $0x60  }
0xae: {  	[dreg:$0x2] =	wrdreg s2  }
0xaf: {  	[dreg:$0x3] =	wrdreg s24  }
0xb0: {  	[dreg:$0x4] =	wrdreg $0x9  }
0xb1: {  	_ =	task.clear_ibuf [dreg:s7], $0x5FFFF;
	_ =	strace $0x90000046  }
0xb2: {  	s29 =	simm.s32 $0x9;
	_ =	strace $0x80000048  }
0xb3: {  	_ =	swait.ge [sflag:s29], $0x1  }
0xb4: {  	[sflag:s29] =	ssyncadd.s32 $0xFFFFFFFF  }
0xb5: {  	_ =	strace $0x90000048  }
0xb6: {  	_ =	sfence  }
0xb7: {  	s30 =	sld [smem:$0x0];
	_ =	sdelay $0x2  }
0xb8: {  	s31 =	sshll.u32 s1, $0xD;
	s1 =	sshrl.u32 s1, $0x2  }
0xb9: {  	s3 =	sand.u32 $0x4000, s31;
	s1 =	sadd.s32 s1, s30  }
0xba: {  	s0 =	sor.u32 s3, s0;
	s1 =	sshll.u32 s1, $0x11  }
0xbb: {  	s0 =	sor.u32 s1, s0  }
0xbc: {  	s0 =	sadd.s32 $0x8F2B, s0  }
0xbd: {  	[sflag:s0] =	ssyncadd.remote.s32 $0x1  }
0xbe: {  	_ =	sfence.sel $0xFFFF  }
0xbf: {  	[dreg:$0x0] =	wrdreg $0xFFFFFFFF;
	(pc) =	sbr.abs _section_cstart, $3  }
0xc0: {  	[dreg:$0x1] =	wrdreg $0xFFFFFFFF  }
0xc1: {  	_ =	task.clear_ibuf [dreg:s7], $0x2FFFF;
	_ =	strace $0x9FFFFFFF  }
0xc2: {  	(tm) =	ssettm $0x7FFFFFFF  }
0xc3: {  	_ =	shalt  }
tec
execute0_lowered:
.L_overlay_start_1:
0x0: {  	(tag) =	ssettag $0x1  }
0x1: {  	s0 =	srdreg.scid;
	s2 =	rddreg [dreg:$0x0]  }
0x2: {  	s4 =	rddreg [dreg:$0x1];
	s1 =	stileid.u32  }
0x3: {  	s3 =	simm.s32 $0x0;
	s15 =	simm.s32 $0x1;
	s16 =	simm.s32 $0x4100  }
0x4: {  	s17 =	simm.s32 $0x2;
	s18 =	simm.s32 $0x3;
	s19 =	simm.s32 $0x4  }
0x5: {  	s20 =	simm.s32 $0x8100;
	s21 =	simm.s32 $0x8;
	s22 =	simm.s32 $0x8180  }
0x6: {  	s23 =	simm.s32 $0x0;
	s8 =	sand.u32 $0x1, s0;
	s0 =	rddreg [dreg:$0x2]  }
0x7: {  	[smem:$0x7FF] =	sst s3;
	s11 =	sadd.s32 $0x2200, s4;
	s29 =	smul.u32 $0x1388, s1  }
0x8: {  	s30 =	smul.u32 $0x13880, s1;
	s5 =	sshll.u32 s8, $0x4;
	s6 =	ssub.s32 $0x2, s8  }
0x9: {  	s13 =	smul.u32 $0x13880, s8;
	s5 =	sor.u32 s1, s5;
	s7 =	sshrl.u32 s6, $0x1  }
0xa: {  	s10 =	sadd.s32 $0xC200, s4;
	s5 =	smul.u32 $0x1388, s5;
	s12 =	ssub.s32 s6, s7  }
0xb: {  	_ =	strace $0x80000047;
	s14 =	smul.u32 $0x138800, s8;
	s8 =	smax.u32 s12, $0x1  }
0xc: {  	s12 =	simm.s32 $0x5;
	s9 =	sadd.s32 $0x1300, s5;
	s25 =	sadd.s32 $0x1380, s5  }
0xd: {  	s24 =	sshrl.u32 s9, $0x3;
	s26 =	sshll.u32 s9, $0x4;
	s28 =	sshrl.u32 s25, $0x3  }
0xe: {  	s7 =	sshll.u32 s25, $0x4;
	s9 =	sadd.s32 s29, s13;
	s4 =	sadd.s32 s11, s24  }
0xf: {  	s5 =	sadd.s32 s10, s26;
	s6 =	sadd.s32 s11, s28;
	s7 =	sadd.s32 s10, s7  }
0x10: {  	s13 =	sadd.s32 $0x80, s9;
	s10 =	sadd.s32 s14, s10;
	s31 =	sshrl.u32 s9, $0x3  }
0x11: {  	s14 =	simm.s32 $0x100;
	s13 =	sshrl.u32 s13, $0x3;
	s9 =	sadd.s32 s30, s10  }
0x12: {  	s10 =	sadd.s32 s31, s11;
	s11 =	sadd.s32 s13, s11;
	s13 =	simm.s32 $0x80  }
.LBB2_1:
0x13: {  	s24 =	sadd.s32 $0x0, s10  }
0x14: {  	[tilespmem:s3], [sflag:$0x5] =	stream.linear.gather [hbm4b:s24+s3], $0x80, $0x38;
	[tilespmem:$0x8580] =	vst v63  }
0x15: {  	_ =	swait.ge [sflag:s12], $0x80  }
0x16: {  	[sflag:s12] =	ssyncset.done $0x0  }
0x17: {  	[sflag:s12] =	ssyncadd.s32 $0xFFFFFF80  }
0x18: {  	[tilespmem:s14], [sflag:$0x1] =	stream.indirect.gather [hbm4b:s2+s13], $0x80, s3, s13, $0xb8;
	[tilespmem:$0x8580] =	vst v63  }
0x19: {  	s30 =	sadd.s32 $0x0, s11  }
0x1a: {  	[tilespmem:s13], [sflag:$0x5] =	stream.linear.gather [hbm4b:s30+s3], $0x80, $0x38;
	[tilespmem:$0x8580] =	vst v63  }
0x1b: {  	_ =	swait.ge [sflag:s12], $0x80  }
0x1c: {  	[sflag:s12] =	ssyncset.done $0x0  }
0x1d: {  	[sflag:s12] =	ssyncadd.s32 $0xFFFFFF80  }
0x1e: {  	_ =	swait.ge [sflag:s15], $0x4000  }
0x1f: {  	[sflag:s15] =	ssyncset.done $0x0  }
0x20: {  	[sflag:s15] =	ssyncadd.s32 $0xFFFFC000  }
0x21: {  	[tilespmem:s16], [sflag:$0x2] =	stream.indirect.gather [hbm4b:s2+s13], $0x80, s13, s13, $0xb8;
	[tilespmem:$0x8580] =	vst v63  }
0x22: {  	_ = 	snop  }
0x23: {  	[hbm4b:s9+s3] =	stream.linear.scatter [tilespmem:s14], [sflag:$0x3], $0x4000, $0x38;
	[tilespmem:$0x8580] =	vst v63  }
0x24: {  	_ =	swait.ge [sflag:s17], $0x4000  }
0x25: {  	[sflag:s17] =	ssyncset.done $0x0  }
0x26: {  	s31 =	sadd.s32 $0x800, s9;
	[sflag:s17] =	ssyncadd.s32 $0xFFFFC000  }
0x27: {  	[hbm4b:s31+s3] =	stream.linear.scatter [tilespmem:s16], [sflag:$0x4], $0x4000, $0x38;
	[tilespmem:$0x8580] =	vst v63  }
0x28: {  	_ =	swait.ge [sflag:s18], $0x4000  }
0x29: {  	[sflag:s18] =	ssyncset.done $0x0  }
0x2a: {  	[sflag:s18] =	ssyncadd.s32 $0xFFFFC000  }
0x2b: {  	s25 =	simm.s32 $0x20;
	_ =	swait.ge [sflag:s19], $0x4000  }
0x2c: {  	s26 =	simm.s32 $0x40;
	s24 =	sadd.s32 $0x1000, s9;
	[sflag:s19] =	ssyncset.done $0x0  }
.LBB2_2:
0x2d: {  	s28 =	sadd.s32 s25, s10  }
0x2e: {  	[sflag:s19] =	ssyncadd.s32 $0xFFFFC000;
	s29 =	smov.u32 s26;
	s30 =	sadd.s32 $0x20, s26  }
0x2f: {  	[tilespmem:s3], [sflag:$0x5] =	stream.linear.gather [hbm4b:s28+s3], $0x80, $0x38;
	[tilespmem:$0x8580] =	vst v63  }
0x30: {  	p0 =	sne.s32 s26, $0x240;
	_ =	swait.ge [sflag:s12], $0x80  }
0x31: {  	[sflag:s12] =	ssyncset.done $0x0  }
0x32: {  	[sflag:s12] =	ssyncadd.s32 $0xFFFFFF80  }
0x33: {  	[tilespmem:s14], [sflag:$0x1] =	stream.indirect.gather [hbm4b:s2+s13], $0x80, s3, s13, $0xb8;
	[tilespmem:$0x8580] =	vst v63  }
0x34: {  	s26 =	sadd.s32 s25, s11;
	s25 =	smov.u32 s29  }
0x35: {  	[tilespmem:s13], [sflag:$0x5] =	stream.linear.gather [hbm4b:s26+s3], $0x80, $0x38;
	[tilespmem:$0x8580] =	vst v63  }
0x36: {  	_ =	swait.ge [sflag:s12], $0x80  }
0x37: {  	[sflag:s12] =	ssyncset.done $0x0  }
0x38: {  	[sflag:s12] =	ssyncadd.s32 $0xFFFFFF80  }
0x39: {  	_ =	swait.ge [sflag:s15], $0x4000  }
0x3a: {  	[sflag:s15] =	ssyncset.done $0x0  }
0x3b: {  	[sflag:s15] =	ssyncadd.s32 $0xFFFFC000  }
0x3c: {  	[tilespmem:s16], [sflag:$0x2] =	stream.indirect.gather [hbm4b:s2+s13], $0x80, s13, s13, $0xb8;
	[tilespmem:$0x8580] =	vst v63  }
0x3d: {  	_ = 	snop  }
0x3e: {  	[hbm4b:s24+s3] =	stream.linear.scatter [tilespmem:s14], [sflag:$0x3], $0x4000, $0x38;
	[tilespmem:$0x8580] =	vst v63  }
0x3f: {  	_ =	swait.ge [sflag:s17], $0x4000  }
0x40: {  	[sflag:s17] =	ssyncset.done $0x0  }
0x41: {  	s26 =	sadd.s32 $0x800, s24;
	[sflag:s17] =	ssyncadd.s32 $0xFFFFC000  }
0x42: {  	[hbm4b:s26+s3] =	stream.linear.scatter [tilespmem:s16], [sflag:$0x4], $0x4000, $0x38;
	[tilespmem:$0x8580] =	vst v63  }
.Ltmp0:
0x43: {  	_ =	swait.ge [sflag:s18], $0x4000;
	(pc) =	sbr.rel @p0 .LBB2_2-.Ltmp0, $4  }
0x44: {  	[sflag:s18] =	ssyncset.done $0x0  }
0x45: {  	[sflag:s18] =	ssyncadd.s32 $0xFFFFC000  }
0x46: {  	_ =	swait.ge [sflag:s19], $0x4000  }
0x47: {  	s24 =	sadd.s32 $0x1000, s24;
	s26 =	smov.u32 s30;
	[sflag:s19] =	ssyncset.done $0x0  }
0x48: {  	s26 =	sadd.s32 s25, s10;
	[sflag:s19] =	ssyncadd.s32 $0xFFFFC000  }
0x49: {  	[tilespmem:s3], [sflag:$0x5] =	stream.linear.gather [hbm4b:s26+s3], $0x80, $0x38;
	[tilespmem:$0x8580] =	vst v63  }
0x4a: {  	_ =	swait.ge [sflag:s12], $0x80  }
0x4b: {  	[sflag:s12] =	ssyncset.done $0x0  }
0x4c: {  	[sflag:s12] =	ssyncadd.s32 $0xFFFFFF80  }
0x4d: {  	[tilespmem:s14], [sflag:$0x1] =	stream.indirect.gather [hbm4b:s2+s13], $0x80, s3, s13, $0xb8;
	[tilespmem:$0x8580] =	vst v63  }
0x4e: {  	s30 =	sadd.s32 s25, s11  }
0x4f: {  	[tilespmem:s13], [sflag:$0x5] =	stream.linear.gather [hbm4b:s30+s3], $0x80, $0x38;
	[tilespmem:$0x8580] =	vst v63  }
0x50: {  	_ =	swait.ge [sflag:s12], $0x80  }
0x51: {  	[sflag:s12] =	ssyncset.done $0x0  }
0x52: {  	[sflag:s12] =	ssyncadd.s32 $0xFFFFFF80  }
0x53: {  	_ =	swait.ge [sflag:s15], $0x4000  }
0x54: {  	[sflag:s15] =	ssyncset.done $0x0  }
0x55: {  	[sflag:s15] =	ssyncadd.s32 $0xFFFFC000  }
0x56: {  	[tilespmem:s16], [sflag:$0x2] =	stream.indirect.gather [hbm4b:s2+s13], $0x80, s13, s13, $0xb8;
	[tilespmem:$0x8580] =	vst v63  }
0x57: {  	_ = 	snop  }
0x58: {  	[hbm4b:s24+s3] =	stream.linear.scatter [tilespmem:s14], [sflag:$0x3], $0x4000, $0x38;
	[tilespmem:$0x8580] =	vst v63  }
0x59: {  	_ =	swait.ge [sflag:s17], $0x4000  }
0x5a: {  	[sflag:s17] =	ssyncset.done $0x0  }
0x5b: {  	s31 =	sadd.s32 $0x800, s24;
	[sflag:s17] =	ssyncadd.s32 $0xFFFFC000  }
0x5c: {  	[hbm4b:s31+s3] =	stream.linear.scatter [tilespmem:s16], [sflag:$0x4], $0x4000, $0x38;
	[tilespmem:$0x8580] =	vst v63  }
0x5d: {  	_ =	swait.ge [sflag:s18], $0x4000  }
0x5e: {  	[sflag:s18] =	ssyncset.done $0x0  }
0x5f: {  	[sflag:s18] =	ssyncadd.s32 $0xFFFFC000  }
0x60: {  	_ =	swait.ge [sflag:s19], $0x4000  }
0x61: {  	[sflag:s19] =	ssyncset.done $0x0  }
0x62: {  	[sflag:s19] =	ssyncadd.s32 $0xFFFFC000  }
0x63: {  	[tilespmem:s3], [sflag:$0x5] =	stream.linear.gather [hbm4b:s4+s3], $0x80, $0x38;
	[tilespmem:$0x8580] =	vst v63  }
0x64: {  	_ =	swait.ge [sflag:s12], $0x80  }
0x65: {  	[sflag:s12] =	ssyncset.done $0x0  }
0x66: {  	[sflag:s12] =	ssyncadd.s32 $0xFFFFFF80  }
0x67: {  	[tilespmem:s14], [sflag:$0x1] =	stream.indirect.gather [hbm4b:s2+s13], $0x80, s3, s13, $0xb8;
	[tilespmem:$0x8580] =	vst v63  }
0x68: {  	_ =	swait.ge [sflag:s15], $0x4000  }
0x69: {  	[sflag:s15] =	ssyncset.done $0x0  }
0x6a: {  	[sflag:s15] =	ssyncadd.s32 $0xFFFFC000  }
0x6b: {  	[hbm4b:s5+s3] =	stream.linear.scatter [tilespmem:s14], [sflag:$0x5], $0x4000, $0x38;
	[tilespmem:$0x8580] =	vst v63  }
0x6c: {  	_ =	swait.ge [sflag:s12], $0x4000  }
0x6d: {  	[sflag:s12] =	ssyncset.done $0x0  }
0x6e: {  	[sflag:s12] =	ssyncadd.s32 $0xFFFFC000  }
0x6f: {  	[tilespmem:s20], [sflag:$0x5] =	stream.linear.gather [hbm4b:s6+s3], $0x8, $0x38;
	[tilespmem:$0x8580] =	vst v63  }
0x70: {  	_ =	swait.ge [sflag:s12], $0x8  }
0x71: {  	[sflag:s12] =	ssyncset.done $0x0  }
0x72: {  	[sflag:s12] =	ssyncadd.s32 $0xFFFFFFF8  }
0x73: {  	[tilespmem:s22], [sflag:$0x1] =	stream.indirect.gather [hbm4b:s2+s21], $0x80, s20, s21, $0xb8;
	[tilespmem:$0x8580] =	vst v63  }
0x74: {  	s23 =	sadd.s32 $0x1, s23;
	_ =	swait.ge [sflag:s15], $0x400  }
0x75: {  	p0 =	sne.s32 s23, s8;
	[sflag:s15] =	ssyncset.done $0x0  }
.Ltmp1:
0x76: {  	[sflag:s15] =	ssyncadd.s32 $0xFFFFFC00;
	(pc) =	sbr.rel @p0 .LBB2_1-.Ltmp1, $4  }
0x77: {  	[hbm4b:s7+s3] =	stream.linear.scatter [tilespmem:s22], [sflag:$0x5], $0x400, $0x38;
	[tilespmem:$0x8580] =	vst v63  }
0x78: {  	_ =	swait.ge [sflag:s12], $0x400  }
0x79: {  	[sflag:s12] =	ssyncset.done $0x0  }
0x7a: {  	[sflag:s12] =	ssyncadd.s32 $0xFFFFFC00  }
0x7b: {  	_ =	sfence.sel $0x180000  }
0x7c: {  	[bflag:$0x0] =	sbarrier.arrive $0xFFFF  }
0x7d: {  	p0 =	sne.s32 s1, $0x0;
	_ =	strace $0x90000047  }
0x7e: {  	s0 =	sadd.s32 @!p0 $0x100000, s0;
	[bflag:$0x2] =	sbarrier.arrive $0xFFFF  }
0x7f: {  	[sflag:s0] =	ssyncadd.tile.s32 @!p0 $0x1;
	_ =	shalt  }
.Lfunc_end2:
_tile_overlayer_lowered:
.L_overlay_start_2:
0x80: {  	(tag) =	ssettag $0x2  }
0x81: {  	s0 =	rddreg [dreg:$0x0];
	s2 =	stileid.u32  }
0x82: {  	s1 =	rddreg [dreg:$0x1];
	p0 =	sne.s32 s2, $0x0  }
0x83: {  	s3 =	rddreg [dreg:$0x2];
	[bflag:$0x3] =	sbarrier.arrive $0xFFFF;
	s2 =	simm.s32 @!p0 $0x1C05  }
0x84: {  	[timem:s3], [sflag:s2] =	dma.local @!p0 [hbm:s0], s1  }
0x85: {  	s0 =	simm.s32 @!p0 $0x5  }
0x86: {  	_ =	swait.ge @!p0 [sflag:s0], s1  }
0x87: {  	s1 =	ssub.s32 @!p0 $0x0, s1;
	[sflag:s0] =	ssyncset.done @!p0 $0x0  }
0x88: {  	[sflag:s0] =	ssyncadd.s32 @!p0 s1  }
0x89: {  	[bflag:$0x3] =	sbarrier.arrive $0xFFFF  }
0x8a: {  	_ =	shalt  }

// kernel: kernel.9.cloned.1.call-start
scs
__scs_entry_jumppad:
0x0: {  	(pc) =	sbr.rel $0x88, $3  }
0x1: {  	(tag) =	ssettag $0x0;
	lr =	simm.s32 $0x1  }
0x2: {  	[smem:$0x3F92] =	sst lr;
	_ =	strace $0xD0000000  }
0x3: {  	_ = 	snop  }
0x4: {  	_ = 	snop  }
0x5: {  	_ = 	snop  }
0x6: {  	_ = 	snop  }
0x7: {  	_ = 	snop  }
__scs_overlays_trampoline_lowered:
0x8: {  	[smem:$0x3FA1] =	sst s0  }
0x9: {  	[smem:$0x3FA2] =	sst s1  }
0xa: {  	[smem:$0x3FA3] =	sst s2  }
0xb: {  	[smem:$0x3FA4] =	sst s3  }
0xc: {  	[smem:$0x3FA5] =	sst s4  }
0xd: {  	[smem:$0x3FA6] =	sst s5  }
0xe: {  	[smem:$0x3FA7] =	sst s6  }
0xf: {  	[smem:$0x3FA8] =	sst s7  }
0x10: {  	[smem:$0x3FA9] =	sst s8  }
0x11: {  	[smem:$0x3FAA] =	sst s9;
	s0 =	simm.s32 @!p0 $0x0  }
0x12: {  	s1 =	sld [smem:$0x3F90];
	s0 =	simm.s32 @p0 $0x1  }
0x13: {  	[smem:$0x3FAB] =	sst s0;
	s0 =	simm.s32 @!p1 $0x0  }
0x14: {  	s2 =	sld [smem:$0x3F8F];
	s0 =	simm.s32 @p1 $0x1  }
0x15: {  	[smem:$0x3FAC] =	sst s0;
	s0 =	simm.s32 @!p2 $0x0  }
0x16: {  	s3 =	sld [smem:$0x3FDB];
	s0 =	simm.s32 @p2 $0x1  }
0x17: {  	s4 =	simm.s32 $0x1BF5;
	[smem:$0x3FAE] =	sst s0  }
0x18: {  	s0 =	sld [smem:$0x3F91];
	_ =	swait.ge [sflag:s4], $0x0  }
0x19: {  	s7 =	sld [smem:$0x3F92]  }
0x1a: {  	s8 =	sadd.s32 $0xFFFFE003, lr  }
0x1b: {  	s9 =	sadd.s32 $0xFFFFFEF7, lr;
	s5 =	simm.s32 $0xFFFFFFFF;
	p2 =	slt.u32 s8, $0xFFFFF086  }
0x1c: {  	p1 =	slt.u32 s9, $0xF7A;
	s5 =	simm.s32 @!p2 $0x0  }
0x1d: {  	s5 =	simm.s32 @p1 $0x1;
	p0 =	seq.s32 s7, s2  }
0x1e: {  	s7 =	smul.u32 @!p0 $0xF7A, s2;
	p2 =	seq.s32 @!p0 s5, $0x0  }
0x1f: {  	s9 =	smul.u32 $0xF7A, s1;
	s8 =	simm.s32 @!p0 $0x1BF5;
	p2 =	por !p2, p0  }
0x20: {  	[sflag:s8] =	ssyncset.s32 @!p0 $0xFFFFF086;
	s6 =	sadd.s32 @!p0 s3, s7;
	s7 =	simm.s32 @!p0 $0x108  }
0x21: {  	s3 =	sadd.s32 s3, s9;
	s6 =	sadd.s32 @!p0 $0x88, s6;
	s7 =	simm.s32 @p2 $0x1082  }
0x22: {  	[simem:s7], [sflag:s8] =	dma.local @!p0 [hbm:s6], $0xF7A  }
0x23: {  	s9 =	sor.u32 $0xD0000000, s2;
	s6 =	simm.s32 $0x108;
	_ =	swait.ge @!p0 [sflag:s8], $0x0  }
0x24: {  	s3 =	sadd.s32 $0x88, s3;
	s6 =	simm.s32 @!p1 $0x1082;
	[sflag:s4] =	ssyncset.s32 $0xFFFFF086  }
0x25: {  	[simem:s6], [sflag:s4] =	dma.local [hbm:s3], $0xF7A  }
0x26: {  	[smem:$0x3F92] =	sst s1;
	(tag) =	ssettag s2;
	_ =	strace s9  }
0x27: {  	s1 =	sld [smem:$0x3FA2]  }
0x28: {  	s2 =	sld [smem:$0x3FA3]  }
0x29: {  	s4 =	sld [smem:$0x3FA5]  }
0x2a: {  	p0 =	seq.s32 s5, $0x0;
	s5 =	sld [smem:$0x3FA6]  }
0x2b: {  	s6 =	sld [smem:$0x3FA7]  }
0x2c: {  	s7 =	sld [smem:$0x3FA8]  }
0x2d: {  	s3 =	simm.s32 $0x108;
	s8 =	sld [smem:$0x3FA9]  }
0x2e: {  	s3 =	simm.s32 @!p0 $0x1082;
	s9 =	sld [smem:$0x3FAA]  }
0x2f: {  	lr =	sadd.s32 s0, s3;
	s0 =	sld [smem:$0x3FA1]  }
0x30: {  	s3 =	sld [smem:$0x3FA4]  }
0x31: {  	[smem:$0x3FAD] =	sst s10  }
0x32: {  	s10 =	sld [smem:$0x3FAB];
	_ =	sdelay $0x3  }
0x33: {  	p0 =	seq.s32 s10, $0x1;
	s10 =	sld [smem:$0x3FAD];
	_ =	sdelay $0x3  }
0x34: {  	[smem:$0x3FAD] =	sst s10  }
0x35: {  	s10 =	sld [smem:$0x3FAC];
	_ =	sdelay $0x3  }
0x36: {  	p1 =	seq.s32 s10, $0x1;
	s10 =	sld [smem:$0x3FAD];
	_ =	sdelay $0x3  }
0x37: {  	[smem:$0x3FAD] =	sst s10  }
0x38: {  	s10 =	sld [smem:$0x3FAE]  }
0x39: {  	_ = 	snop;
	(pc) =	sbr.ind lr, $3  }
0x3a: {  	_ = 	snop  }
0x3b: {  	_ = 	snop  }
0x3c: {  	p2 =	seq.s32 s10, $0x1;
	s10 =	sld [smem:$0x3FAD]  }
0x3d: {  	_ =	shalt  }
0x3e: {  	_ =	shalt  }
0x3f: {  	_ =	shalt  }
0x40: {  	_ =	shalt  }
0x41: {  	_ =	shalt  }
0x42: {  	_ =	shalt  }
0x43: {  	_ =	shalt  }
0x44: {  	_ =	shalt  }
0x45: {  	_ =	shalt  }
0x46: {  	_ =	shalt  }
0x47: {  	_ =	shalt  }
0x48: {  	_ =	shalt  }
0x49: {  	_ =	shalt  }
0x4a: {  	_ =	shalt  }
0x4b: {  	_ =	shalt  }
0x4c: {  	_ =	shalt  }
0x4d: {  	_ =	shalt  }
0x4e: {  	_ =	shalt  }
0x4f: {  	_ =	shalt  }
0x50: {  	_ =	shalt  }
0x51: {  	_ =	shalt  }
0x52: {  	_ =	shalt  }
0x53: {  	_ =	shalt  }
0x54: {  	_ =	shalt  }
0x55: {  	_ =	shalt  }
0x56: {  	_ =	shalt  }
0x57: {  	_ =	shalt  }
0x58: {  	_ =	shalt  }
0x59: {  	_ =	shalt  }
0x5a: {  	_ =	shalt  }
0x5b: {  	_ =	shalt  }
0x5c: {  	_ =	shalt  }
0x5d: {  	_ =	shalt  }
0x5e: {  	_ =	shalt  }
0x5f: {  	_ =	shalt  }
0x60: {  	_ =	shalt  }
0x61: {  	_ =	shalt  }
0x62: {  	_ =	shalt  }
0x63: {  	_ =	shalt  }
0x64: {  	_ =	shalt  }
0x65: {  	_ =	shalt  }
0x66: {  	_ =	shalt  }
0x67: {  	_ =	shalt  }
0x68: {  	_ =	shalt  }
0x69: {  	_ =	shalt  }
0x6a: {  	_ =	shalt  }
0x6b: {  	_ =	shalt  }
0x6c: {  	_ =	shalt  }
0x6d: {  	_ =	shalt  }
0x6e: {  	_ =	shalt  }
0x6f: {  	_ =	shalt  }
0x70: {  	_ =	shalt  }
0x71: {  	_ =	shalt  }
0x72: {  	_ =	shalt  }
0x73: {  	_ =	shalt  }
0x74: {  	_ =	shalt  }
0x75: {  	_ =	shalt  }
0x76: {  	_ =	shalt  }
0x77: {  	_ =	shalt  }
0x78: {  	_ =	shalt  }
0x79: {  	_ =	shalt  }
0x7a: {  	_ =	shalt  }
0x7b: {  	_ =	shalt  }
0x7c: {  	_ =	shalt  }
0x7d: {  	_ =	shalt  }
0x7e: {  	_ =	shalt  }
0x7f: {  	_ =	shalt  }
0x80: {  	_ =	shalt  }
0x81: {  	_ =	shalt  }
0x82: {  	_ =	shalt  }
0x83: {  	_ =	shalt  }
0x84: {  	_ =	shalt  }
0x85: {  	_ =	shalt  }
0x86: {  	_ =	shalt  }
0x87: {  	_ =	shalt  }
.Lfunc_end0:
.L_simem_size_0:
called_computation.1_lowered:
.L_overlay_start_0:
0x88: {  	s2 =	sld [smem:$0x3FD9]  }
0x89: {  	s3 =	sld [smem:$0x3FFE];
	_ =	sdelay $0x1  }
0x8a: {  	s1 =	srdreg.scid  }
0x8b: {  	s0 =	sand.u32 $0x1, s1  }
0x8c: {  	s17 =	sshll.u32 s0, $0xA;
	s2 =	sadd.s32 s3, s2  }
0x8d: {  	s2 =	sadd.s32 s2, s17  }
0x8e: {  	[smem:$0x3FB9] =	sst s2  }
0x8f: {  	_ = 	snop  }
0x90: {  	s2 =	sld [smem:$0x3FD0];
	(tm) =	ssettm $0x1  }
0x91: {  	s18 =	sld [smem:$0x3FFB];
	_ =	sdelay $0x3  }
0x92: {  	_ =	strace s18  }
0x93: {  	s3 =	sld [smem:$0x3FFC];
	_ =	sdelay $0x3  }
0x94: {  	_ =	strace s3  }
0x95: {  	s3 =	sld [smem:$0x3FFD];
	_ =	sdelay $0x3  }
0x96: {  	_ =	strace s3  }
0x97: {  	_ =	strace $0x8FFFFFFF  }
0x98: {  	s19 =	sld [smem:$0x3FDB];
	_ =	sdelay $0x1  }
0x99: {  	s4 =	simm.s32 $_scs_section_size  }
0x9a: {  	s5 =	simm.s32 $_size__tile_overlayer_lowered;
	s6 =	simm.s32 $_tile_overlayer_lowered  }
0x9b: {  	s22 =	simm.s32 $0x1BFF;
	s21 =	sshll.u32 s6, $0x1;
	s3 =	sadd.s32 s4, s19  }
0x9c: {  	s7 =	simm.s32 $0x0;
	s20 =	sshll.u32 s5, $0x1;
	s5 =	sadd.s32 s21, s3  }
0x9d: {  	[timem:s7], [sflag:s22] =	dma.local [hbm:s5], s20  }
0x9e: {  	_ =	swait.ge [sflag:s22], s20  }
0x9f: {  	s4 =	ssub.s32 $0x0, s20;
	[sflag:s22] =	ssyncset.done $0x0  }
0xa0: {  	[sflag:s22] =	ssyncadd.s32 s4;
	_ =	sdelay $0x1  }
0xa1: {  	s23 =	simm.s32 $0x1B8B  }
0xa2: {  	_ =	swait.ge [sflag:s23], $0x1  }
0xa3: {  	[sflag:s23] =	ssyncset.done $0x0  }
0xa4: {  	s25 =	simm.s32 $0x1B8E;
	s24 =	sld [smem:$0x3FFE];
	[sflag:s23] =	ssyncadd.s32 $0xFFFFFFFF  }
0xa5: {  	s26 =	simm.s32 $execute0_lowered;
	[smem:$0x3FD2] =	sst s25  }
0xa6: {  	s5 =	sshll.u32 s26, $0x1;
	_ =	strace $0x80000049;
	[dreg:$0x1] =	wrdreg $0xFFFFFFFF  }
0xa7: {  	s28 =	simm.s32 $_size_execute0_lowered;
	s3 =	sadd.s32 s3, s5;
	[dreg:$0x0] =	wrdreg $0x0  }
0xa8: {  	s5 =	sshll.u32 s28, $0x1;
	[dreg:$0x2] =	wrdreg s3  }
0xa9: {  	[dreg:$0x3] =	wrdreg s5  }
0xaa: {  	[dreg:$0x4] =	wrdreg $0xC0  }
0xab: {  	_ =	task [dreg:s7], $0x5FFFF  }
0xac: {  	[dreg:$0x1] =	wrdreg $0xFFFFFFFF  }
0xad: {  	[dreg:$0x0] =	wrdreg $0x60  }
0xae: {  	[dreg:$0x2] =	wrdreg s24  }
0xaf: {  	[dreg:$0x3] =	wrdreg s2  }
0xb0: {  	[dreg:$0x4] =	wrdreg $0x9  }
0xb1: {  	_ =	task.clear_ibuf [dreg:s7], $0x5FFFF;
	_ =	strace $0x90000049  }
0xb2: {  	s29 =	simm.s32 $0x9;
	_ =	strace $0x8000004B  }
0xb3: {  	_ =	swait.ge [sflag:s29], $0x1  }
0xb4: {  	[sflag:s29] =	ssyncadd.s32 $0xFFFFFFFF  }
0xb5: {  	_ =	strace $0x9000004B  }
0xb6: {  	_ =	sfence  }
0xb7: {  	s30 =	sld [smem:$0x0];
	_ =	sdelay $0x2  }
0xb8: {  	s31 =	sshll.u32 s1, $0xD;
	s1 =	sshrl.u32 s1, $0x2  }
0xb9: {  	s3 =	sand.u32 $0x4000, s31;
	s1 =	sadd.s32 s1, s30  }
0xba: {  	s0 =	sor.u32 s3, s0;
	s1 =	sshll.u32 s1, $0x11  }
0xbb: {  	s0 =	sor.u32 s1, s0  }
0xbc: {  	s0 =	sadd.s32 $0x8F2B, s0  }
0xbd: {  	[sflag:s0] =	ssyncadd.remote.s32 $0x1  }
0xbe: {  	_ =	sfence.sel $0xFFFF  }
0xbf: {  	[dreg:$0x0] =	wrdreg $0xFFFFFFFF;
	(pc) =	sbr.abs _section_cstart, $3  }
0xc0: {  	[dreg:$0x1] =	wrdreg $0xFFFFFFFF  }
0xc1: {  	_ =	task.clear_ibuf [dreg:s7], $0x2FFFF;
	_ =	strace $0x9FFFFFFF  }
0xc2: {  	(tm) =	ssettm $0x7FFFFFFF  }
0xc3: {  	_ =	shalt  }
tec
execute0_lowered:
.L_overlay_start_1:
0x0: {  	(tag) =	ssettag $0x1  }
0x1: {  	s8 =	rddreg [dreg:$0x0]  }
0x2: {  	s0 =	srdreg.scid;
	s2 =	rddreg [dreg:$0x1];
	s3 =	simm.s32 $0x0  }
0x3: {  	s14 =	simm.s32 $0x5;
	s15 =	simm.s32 $0x100;
	s16 =	simm.s32 $0x80  }
0x4: {  	s17 =	simm.s32 $0x900;
	s18 =	simm.s32 $0x1;
	s19 =	simm.s32 $0x2  }
0x5: {  	s20 =	simm.s32 $0x3;
	s21 =	simm.s32 $0x4;
	s22 =	simm.s32 $0x1100  }
0x6: {  	s23 =	simm.s32 $0x1180;
	s7 =	sand.u32 $0x1, s0;
	s0 =	stileid.u32  }
0x7: {  	[smem:$0x7FF] =	sst s3;
	s6 =	sadd.s32 $0x7200, s8;
	s1 =	sshll.u32 s7, $0x4  }
0x8: {  	s24 =	sshll.u32 s0, $0x7;
	s7 =	ssub.s32 $0x2, s7;
	s4 =	sor.u32 s0, s1  }
0x9: {  	s1 =	rddreg [dreg:$0x2];
	_ =	strace $0x8000004A;
	s10 =	sand.u32 $0x380, s24  }
0xa: {  	s26 =	sshrl.u32 s7, $0x1;
	s5 =	sshrl.u32 s4, $0x3;
	s4 =	smul.u32 $0x1388, s4  }
0xb: {  	s24 =	simm.s32 $0x400;
	s12 =	ssub.s32 s7, s26;
	s9 =	smul.u32 $0x9E000, s5  }
0xc: {  	v0 =	vlaneseq.u32;
	s5 =	sadd.s32 $0xC200, s8;
	s12 =	smax.u32 s12, $0x1;
	s25 =	sadd.s32 $0x1300, s4  }
0xd: {  	v0 =	vmul.u32 $0x10, v0;
	s29 =	sadd.s32 $0x1380, s4;
	s9 =	sor.u32 s10, s9;
	s28 =	sshrl.u32 s25, $0x3  }
0xe: {  	s30 =	sshll.u32 s25, $0x1;
	s31 =	sshrl.u32 s29, $0x3;
	s13 =	sshll.u32 s29, $0x1  }
0xf: {  	v1 =	vimm.s32 $0x0;
	v2 =	vor.u32 $0x1, v0;
	s25 =	simm.s32 $0x0;
	s9 =	sshrl.u32 s9, $0x3;
	s7 =	sadd.s32 s6, s28  }
0x10: {  	v3 =	vor.u32 $0x2, v0;
	v4 =	vor.u32 $0x3, v0;
	v5 =	vor.u32 $0x4, v0;
	s10 =	sadd.s32 s5, s13;
	s13 =	simm.s32 $0x1280;
	s11 =	sadd.s32 s9, s8  }
0x11: {  	v6 =	vor.u32 $0x5, v0;
	v7 =	vor.u32 $0x6, v0;
	v8 =	vor.u32 $0x7, v0;
	s8 =	sadd.s32 s5, s30;
	s9 =	sadd.s32 s6, s31;
	s11 =	sadd.s32 $0x5A400, s11  }
.LBB2_1:
0x12: {  	[tilespmem:s13], [sflag:$0x5] =	stream.linear.gather [hbm4b:s2+s3], $0x13C00, $0x38;
	[tilespmem:$0x14E80] =	vst v63  }
0x13: {  	_ =	swait.ge [sflag:s14], $0x13C00  }
0x14: {  	[sflag:s14] =	ssyncset.done $0x0  }
0x15: {  	s26 =	simm.s32 $0x0;
	[sflag:s14] =	ssyncadd.s32 $0xFFFEC400  }
.LBB2_2:
0x16: {  	s28 =	sshll.u32 s26, $0x8  }
0x17: {  	s29 =	sadd.s32 s4, s28  }
0x18: {  	s28 =	sshrl.u32 s29, $0x3;
	s31 =	sshll.u32 s29, $0x1  }
0x19: {  	s29 =	sadd.s32 $0x80, s29;
	s30 =	sadd.s32 s6, s28;
	s28 =	simm.s32 $0x0  }
0x1a: {  	[tilespmem:s28], [sflag:$0x1] =	stream.linear.gather [hbm4b:s30+s28], $0x80, $0x38;
	[tilespmem:$0x14E80] =	vst v63  }
0x1b: {  	s30 =	sadd.s32 s5, s31;
	s31 =	sshrl.u32 s29, $0x3;
	s29 =	sshll.u32 s29, $0x1  }
0x1c: {  	[tilespmem:s15], [sflag:$0x2] =	stream.linear.gather [hbm4b:s30+s28], $0x800, $0x38;
	[tilespmem:$0x14E80] =	vst v63  }
0x1d: {  	s29 =	sand.u32 $0x1FFFFFF0, s29;
	s30 =	sadd.s32 s6, s31  }
0x1e: {  	[tilespmem:s16], [sflag:$0x3] =	stream.linear.gather [hbm4b:s30+s28], $0x80, $0x38;
	[tilespmem:$0x14E80] =	vst v63  }
0x1f: {  	s29 =	sadd.s32 s5, s29  }
0x20: {  	[tilespmem:s17], [sflag:$0x4] =	stream.linear.gather [hbm4b:s29+s28], $0x800, $0x38;
	[tilespmem:$0x14E80] =	vst v63  }
0x21: {  	_ =	swait.ge [sflag:s18], $0x80  }
0x22: {  	[sflag:s18] =	ssyncset.done $0x0  }
0x23: {  	[sflag:s18] =	ssyncadd.s32 $0xFFFFFF80  }
0x24: {  	_ =	swait.ge [sflag:s19], $0x800  }
0x25: {  	v9 =	vmov s28;
	[sflag:s19] =	ssyncset.done $0x0  }
0x26: {  	v9 =	vshll.u32 v9, $0x4;
	[sflag:s19] =	ssyncadd.s32 $0xFFFFF800  }
0x27: {  	v9 =	vor.u32 v0, v9;
	v10 =	vld [tilespmem:s28+$0x0];
	_ =	sdelay $0x4  }
0x28: {  	v11 =	vld.idx.msk [tilespmem:v9+s15+$0x0], $0xffff;
	v10 =	vshll.u32 v10, $0x3  }
0x29: {  	v12 =	vor.u32 $0x1, v9;
	_ =	sdelay $0x3  }
0x2a: {  	[tilespmem:v10+s13+$0x0] =	vst.idx.add.f32.msk $0xffff, v11  }
0x2b: {  	v54 =	vor.u32 $0x1, v10;
	v11 =	vld.idx.msk [tilespmem:v12+s15+$0x0], $0xffff  }
0x2c: {  	v13 =	vor.u32 $0x2, v9;
	_ =	sdelay $0x3  }
0x2d: {  	[tilespmem:v54+s13+$0x0] =	vst.idx.add.f32.msk $0xffff, v11  }
0x2e: {  	v55 =	vor.u32 $0x2, v10;
	v11 =	vld.idx.msk [tilespmem:v13+s15+$0x0], $0xffff  }
0x2f: {  	v56 =	vor.u32 $0x3, v9;
	_ =	sdelay $0x3  }
0x30: {  	[tilespmem:v55+s13+$0x0] =	vst.idx.add.f32.msk $0xffff, v11  }
0x31: {  	v57 =	vor.u32 $0x3, v10;
	v11 =	vld.idx.msk [tilespmem:v56+s15+$0x0], $0xffff  }
0x32: {  	v58 =	vor.u32 $0x4, v9;
	_ =	sdelay $0x3  }
0x33: {  	[tilespmem:v57+s13+$0x0] =	vst.idx.add.f32.msk $0xffff, v11  }
0x34: {  	v59 =	vor.u32 $0x4, v10;
	v11 =	vld.idx.msk [tilespmem:v58+s15+$0x0], $0xffff  }
0x35: {  	v60 =	vor.u32 $0x5, v9;
	_ =	sdelay $0x3  }
0x36: {  	[tilespmem:v59+s13+$0x0] =	vst.idx.add.f32.msk $0xffff, v11  }
0x37: {  	v61 =	vor.u32 $0x5, v10;
	v11 =	vld.idx.msk [tilespmem:v60+s15+$0x0], $0xffff  }
0x38: {  	v62 =	vor.u32 $0x6, v9;
	_ =	sdelay $0x3  }
0x39: {  	[tilespmem:v61+s13+$0x0] =	vst.idx.add.f32.msk $0xffff, v11  }
0x3a: {  	v63 =	vor.u32 $0x6, v10;
	v11 =	vld.idx.msk [tilespmem:v62+s15+$0x0], $0xffff  }
0x3b: {  	v9 =	vor.u32 $0x7, v9;
	_ =	sdelay $0x3  }
0x3c: {  	[tilespmem:v63+s13+$0x0] =	vst.idx.add.f32.msk $0xffff, v11  }
0x3d: {  	v10 =	vor.u32 $0x7, v10;
	v9 =	vld.idx.msk [tilespmem:v9+s15+$0x0], $0xffff  }
0x3e: {  	s29 =	simm.s32 $0x10  }
0x3f: {  	v11 =	vmov s29  }
0x40: {  	s29 =	simm.s32 $0x20;
	v11 =	vshll.u32 v11, $0x4  }
.LBB2_3:
0x41: {  	p0 =	sne.s32 s29, $0x70  }
0x42: {  	v11 =	vor.u32 v0, v11;
	[tilespmem:v10+s13+$0x0] =	vst.idx.add.f32.msk $0xffff, v9;
	s28 =	sadd.s32 $0x10, s28;
	s30 =	smov.u32 s29;
	s29 =	sadd.s32 $0x10, s29  }
0x43: {  	v9 =	vld [tilespmem:s28+$0x0];
	_ =	sdelay $0x3  }
0x44: {  	v10 =	vld.idx.msk [tilespmem:v11+s15+$0x0], $0xffff  }
0x45: {  	v12 =	vshll.u32 v9, $0x3  }
0x46: {  	v9 =	vor.u32 $0x1, v11;
	_ =	sdelay $0x3  }
0x47: {  	[tilespmem:v12+s13+$0x0] =	vst.idx.add.f32.msk $0xffff, v10  }
0x48: {  	v9 =	vld.idx.msk [tilespmem:v9+s15+$0x0], $0xffff  }
0x49: {  	v10 =	vor.u32 $0x1, v12  }
0x4a: {  	v13 =	vor.u32 $0x2, v11;
	_ =	sdelay $0x3  }
0x4b: {  	[tilespmem:v10+s13+$0x0] =	vst.idx.add.f32.msk $0xffff, v9  }
0x4c: {  	v9 =	vld.idx.msk [tilespmem:v13+s15+$0x0], $0xffff  }
0x4d: {  	v10 =	vor.u32 $0x2, v12  }
0x4e: {  	v13 =	vor.u32 $0x3, v11;
	_ =	sdelay $0x3  }
0x4f: {  	[tilespmem:v10+s13+$0x0] =	vst.idx.add.f32.msk $0xffff, v9  }
0x50: {  	v9 =	vld.idx.msk [tilespmem:v13+s15+$0x0], $0xffff  }
0x51: {  	v10 =	vor.u32 $0x3, v12  }
0x52: {  	v13 =	vor.u32 $0x4, v11;
	_ =	sdelay $0x3  }
0x53: {  	[tilespmem:v10+s13+$0x0] =	vst.idx.add.f32.msk $0xffff, v9  }
0x54: {  	v9 =	vld.idx.msk [tilespmem:v13+s15+$0x0], $0xffff  }
0x55: {  	v10 =	vor.u32 $0x4, v12  }
0x56: {  	v13 =	vor.u32 $0x5, v11;
	_ =	sdelay $0x3  }
0x57: {  	[tilespmem:v10+s13+$0x0] =	vst.idx.add.f32.msk $0xffff, v9  }
0x58: {  	v9 =	vld.idx.msk [tilespmem:v13+s15+$0x0], $0xffff  }
0x59: {  	v10 =	vor.u32 $0x5, v12  }
0x5a: {  	v13 =	vor.u32 $0x6, v11;
	_ =	sdelay $0x3  }
0x5b: {  	[tilespmem:v10+s13+$0x0] =	vst.idx.add.f32.msk $0xffff, v9  }
0x5c: {  	v9 =	vld.idx.msk [tilespmem:v13+s15+$0x0], $0xffff  }
0x5d: {  	v10 =	vor.u32 $0x6, v12  }
0x5e: {  	v11 =	vor.u32 $0x7, v11;
	_ =	sdelay $0x3  }
0x5f: {  	[tilespmem:v10+s13+$0x0] =	vst.idx.add.f32.msk $0xffff, v9  }
0x60: {  	v9 =	vld.idx.msk [tilespmem:v11+s15+$0x0], $0xffff  }
.Ltmp0:
0x61: {  	v10 =	vor.u32 $0x7, v12;
	(pc) =	sbr.rel @p0 .LBB2_3-.Ltmp0, $3  }
0x62: {  	_ =	sdelay $0x1  }
0x63: {  	v11 =	vmov s30  }
0x64: {  	v11 =	vshll.u32 v11, $0x4  }
0x65: {  	_ =	sdelay $0x3  }
0x66: {  	[tilespmem:v10+s13+$0x0] =	vst.idx.add.f32.msk $0xffff, v9;
	s28 =	sadd.s32 $0x10, s28  }
0x67: {  	v9 =	vor.u32 v0, v11;
	v10 =	vld [tilespmem:s28+$0x0];
	_ =	sdelay $0x4  }
0x68: {  	v11 =	vld.idx.msk [tilespmem:v9+s15+$0x0], $0xffff;
	v10 =	vshll.u32 v10, $0x3  }
0x69: {  	v12 =	vor.u32 $0x1, v9;
	_ =	sdelay $0x3  }
0x6a: {  	[tilespmem:v10+s13+$0x0] =	vst.idx.add.f32.msk $0xffff, v11  }
0x6b: {  	v42 =	vor.u32 $0x1, v10;
	v11 =	vld.idx.msk [tilespmem:v12+s15+$0x0], $0xffff  }
0x6c: {  	v13 =	vor.u32 $0x2, v9;
	_ =	sdelay $0x3  }
0x6d: {  	[tilespmem:v42+s13+$0x0] =	vst.idx.add.f32.msk $0xffff, v11  }
0x6e: {  	v43 =	vor.u32 $0x2, v10;
	v11 =	vld.idx.msk [tilespmem:v13+s15+$0x0], $0xffff  }
0x6f: {  	v44 =	vor.u32 $0x3, v9;
	_ =	sdelay $0x3  }
0x70: {  	[tilespmem:v43+s13+$0x0] =	vst.idx.add.f32.msk $0xffff, v11  }
0x71: {  	v45 =	vor.u32 $0x3, v10;
	v11 =	vld.idx.msk [tilespmem:v44+s15+$0x0], $0xffff  }
0x72: {  	v46 =	vor.u32 $0x4, v9;
	_ =	sdelay $0x3  }
0x73: {  	[tilespmem:v45+s13+$0x0] =	vst.idx.add.f32.msk $0xffff, v11  }
0x74: {  	v47 =	vor.u32 $0x4, v10;
	v11 =	vld.idx.msk [tilespmem:v46+s15+$0x0], $0xffff  }
0x75: {  	v48 =	vor.u32 $0x5, v9;
	_ =	sdelay $0x3  }
0x76: {  	[tilespmem:v47+s13+$0x0] =	vst.idx.add.f32.msk $0xffff, v11  }
0x77: {  	v49 =	vor.u32 $0x5, v10;
	v11 =	vld.idx.msk [tilespmem:v48+s15+$0x0], $0xffff  }
0x78: {  	v50 =	vor.u32 $0x6, v9;
	_ =	sdelay $0x3  }
0x79: {  	[tilespmem:v49+s13+$0x0] =	vst.idx.add.f32.msk $0xffff, v11  }
0x7a: {  	v51 =	vor.u32 $0x6, v10;
	v11 =	vld.idx.msk [tilespmem:v50+s15+$0x0], $0xffff  }
0x7b: {  	v9 =	vor.u32 $0x7, v9;
	_ =	sdelay $0x3  }
0x7c: {  	[tilespmem:v51+s13+$0x0] =	vst.idx.add.f32.msk $0xffff, v11  }
0x7d: {  	v10 =	vor.u32 $0x7, v10;
	v9 =	vld.idx.msk [tilespmem:v9+s15+$0x0], $0xffff;
	_ =	sdelay $0x4  }
0x7e: {  	[tilespmem:v10+s13+$0x0] =	vst.idx.add.f32.msk $0xffff, v9  }
0x7f: {  	_ =	swait.ge [sflag:s20], $0x80  }
0x80: {  	[sflag:s20] =	ssyncset.done $0x0  }
0x81: {  	[sflag:s20] =	ssyncadd.s32 $0xFFFFFF80  }
0x82: {  	s28 =	simm.s32 $0x0;
	_ =	swait.ge [sflag:s21], $0x800  }
0x83: {  	v9 =	vmov s28;
	[sflag:s21] =	ssyncset.done $0x0  }
0x84: {  	s28 =	simm.s32 $0x80;
	v9 =	vshll.u32 v9, $0x4;
	[sflag:s21] =	ssyncadd.s32 $0xFFFFF800  }
0x85: {  	v9 =	vor.u32 v0, v9;
	v10 =	vld [tilespmem:s28+$0x0];
	_ =	sdelay $0x4  }
0x86: {  	v11 =	vld.idx.msk [tilespmem:v9+s17+$0x0], $0xffff;
	v10 =	vshll.u32 v10, $0x3  }
0x87: {  	v52 =	vor.u32 $0x1, v9;
	_ =	sdelay $0x3  }
0x88: {  	[tilespmem:v10+s13+$0x0] =	vst.idx.add.f32.msk $0xffff, v11  }
0x89: {  	v53 =	vor.u32 $0x1, v10;
	v11 =	vld.idx.msk [tilespmem:v52+s17+$0x0], $0xffff  }
0x8a: {  	v54 =	vor.u32 $0x2, v9;
	_ =	sdelay $0x3  }
0x8b: {  	[tilespmem:v53+s13+$0x0] =	vst.idx.add.f32.msk $0xffff, v11  }
0x8c: {  	v55 =	vor.u32 $0x2, v10;
	v11 =	vld.idx.msk [tilespmem:v54+s17+$0x0], $0xffff  }
0x8d: {  	v56 =	vor.u32 $0x3, v9;
	_ =	sdelay $0x3  }
0x8e: {  	[tilespmem:v55+s13+$0x0] =	vst.idx.add.f32.msk $0xffff, v11  }
0x8f: {  	v57 =	vor.u32 $0x3, v10;
	v11 =	vld.idx.msk [tilespmem:v56+s17+$0x0], $0xffff  }
0x90: {  	v58 =	vor.u32 $0x4, v9;
	_ =	sdelay $0x3  }
0x91: {  	[tilespmem:v57+s13+$0x0] =	vst.idx.add.f32.msk $0xffff, v11  }
0x92: {  	v59 =	vor.u32 $0x4, v10;
	v11 =	vld.idx.msk [tilespmem:v58+s17+$0x0], $0xffff  }
0x93: {  	v60 =	vor.u32 $0x5, v9;
	_ =	sdelay $0x3  }
0x94: {  	[tilespmem:v59+s13+$0x0] =	vst.idx.add.f32.msk $0xffff, v11  }
0x95: {  	v61 =	vor.u32 $0x5, v10;
	v11 =	vld.idx.msk [tilespmem:v60+s17+$0x0], $0xffff  }
0x96: {  	v62 =	vor.u32 $0x6, v9;
	_ =	sdelay $0x3  }
0x97: {  	[tilespmem:v61+s13+$0x0] =	vst.idx.add.f32.msk $0xffff, v11  }
0x98: {  	v63 =	vor.u32 $0x6, v10;
	v11 =	vld.idx.msk [tilespmem:v62+s17+$0x0], $0xffff  }
0x99: {  	v9 =	vor.u32 $0x7, v9;
	_ =	sdelay $0x3  }
0x9a: {  	[tilespmem:v63+s13+$0x0] =	vst.idx.add.f32.msk $0xffff, v11  }
0x9b: {  	v10 =	vor.u32 $0x7, v10;
	v9 =	vld.idx.msk [tilespmem:v9+s17+$0x0], $0xffff  }
0x9c: {  	s29 =	simm.s32 $0x10  }
0x9d: {  	v11 =	vmov s29  }
0x9e: {  	s29 =	simm.s32 $0x20;
	v11 =	vshll.u32 v11, $0x4  }
.LBB2_5:
0x9f: {  	p0 =	sne.s32 s29, $0x70  }
0xa0: {  	v11 =	vor.u32 v0, v11;
	[tilespmem:v10+s13+$0x0] =	vst.idx.add.f32.msk $0xffff, v9;
	s28 =	sadd.s32 $0x10, s28;
	s30 =	smov.u32 s29;
	s29 =	sadd.s32 $0x10, s29  }
0xa1: {  	v9 =	vld [tilespmem:s28+$0x0];
	_ =	sdelay $0x3  }
0xa2: {  	v10 =	vld.idx.msk [tilespmem:v11+s17+$0x0], $0xffff  }
0xa3: {  	v12 =	vshll.u32 v9, $0x3  }
0xa4: {  	v9 =	vor.u32 $0x1, v11;
	_ =	sdelay $0x3  }
0xa5: {  	[tilespmem:v12+s13+$0x0] =	vst.idx.add.f32.msk $0xffff, v10  }
0xa6: {  	v9 =	vld.idx.msk [tilespmem:v9+s17+$0x0], $0xffff  }
0xa7: {  	v10 =	vor.u32 $0x1, v12  }
0xa8: {  	v13 =	vor.u32 $0x2, v11;
	_ =	sdelay $0x3  }
0xa9: {  	[tilespmem:v10+s13+$0x0] =	vst.idx.add.f32.msk $0xffff, v9  }
0xaa: {  	v9 =	vld.idx.msk [tilespmem:v13+s17+$0x0], $0xffff  }
0xab: {  	v10 =	vor.u32 $0x2, v12  }
0xac: {  	v13 =	vor.u32 $0x3, v11;
	_ =	sdelay $0x3  }
0xad: {  	[tilespmem:v10+s13+$0x0] =	vst.idx.add.f32.msk $0xffff, v9  }
0xae: {  	v9 =	vld.idx.msk [tilespmem:v13+s17+$0x0], $0xffff  }
0xaf: {  	v10 =	vor.u32 $0x3, v12  }
0xb0: {  	v13 =	vor.u32 $0x4, v11;
	_ =	sdelay $0x3  }
0xb1: {  	[tilespmem:v10+s13+$0x0] =	vst.idx.add.f32.msk $0xffff, v9  }
0xb2: {  	v9 =	vld.idx.msk [tilespmem:v13+s17+$0x0], $0xffff  }
0xb3: {  	v10 =	vor.u32 $0x4, v12  }
0xb4: {  	v13 =	vor.u32 $0x5, v11;
	_ =	sdelay $0x3  }
0xb5: {  	[tilespmem:v10+s13+$0x0] =	vst.idx.add.f32.msk $0xffff, v9  }
0xb6: {  	v9 =	vld.idx.msk [tilespmem:v13+s17+$0x0], $0xffff  }
0xb7: {  	v10 =	vor.u32 $0x5, v12  }
0xb8: {  	v13 =	vor.u32 $0x6, v11;
	_ =	sdelay $0x3  }
0xb9: {  	[tilespmem:v10+s13+$0x0] =	vst.idx.add.f32.msk $0xffff, v9  }
0xba: {  	v9 =	vld.idx.msk [tilespmem:v13+s17+$0x0], $0xffff  }
0xbb: {  	v10 =	vor.u32 $0x6, v12  }
0xbc: {  	v11 =	vor.u32 $0x7, v11;
	_ =	sdelay $0x3  }
0xbd: {  	[tilespmem:v10+s13+$0x0] =	vst.idx.add.f32.msk $0xffff, v9  }
0xbe: {  	v9 =	vld.idx.msk [tilespmem:v11+s17+$0x0], $0xffff  }
.Ltmp1:
0xbf: {  	v10 =	vor.u32 $0x7, v12;
	(pc) =	sbr.rel @p0 .LBB2_5-.Ltmp1, $3  }
0xc0: {  	_ =	sdelay $0x1  }
0xc1: {  	v11 =	vmov s30  }
0xc2: {  	v11 =	vshll.u32 v11, $0x4  }
0xc3: {  	_ =	sdelay $0x3  }
0xc4: {  	[tilespmem:v10+s13+$0x0] =	vst.idx.add.f32.msk $0xffff, v9;
	s28 =	sadd.s32 $0x10, s28  }
0xc5: {  	v9 =	vor.u32 v0, v11;
	v10 =	vld [tilespmem:s28+$0x0];
	_ =	sdelay $0x4  }
0xc6: {  	v11 =	vld.idx.msk [tilespmem:v9+s17+$0x0], $0xffff;
	v10 =	vshll.u32 v10, $0x3  }
0xc7: {  	v12 =	vor.u32 $0x1, v9;
	_ =	sdelay $0x3  }
0xc8: {  	[tilespmem:v10+s13+$0x0] =	vst.idx.add.f32.msk $0xffff, v11  }
0xc9: {  	v54 =	vor.u32 $0x1, v10;
	v11 =	vld.idx.msk [tilespmem:v12+s17+$0x0], $0xffff  }
0xca: {  	v13 =	vor.u32 $0x2, v9;
	_ =	sdelay $0x3  }
0xcb: {  	[tilespmem:v54+s13+$0x0] =	vst.idx.add.f32.msk $0xffff, v11  }
0xcc: {  	v55 =	vor.u32 $0x2, v10;
	v11 =	vld.idx.msk [tilespmem:v13+s17+$0x0], $0xffff  }
0xcd: {  	v56 =	vor.u32 $0x3, v9;
	_ =	sdelay $0x3  }
0xce: {  	[tilespmem:v55+s13+$0x0] =	vst.idx.add.f32.msk $0xffff, v11  }
0xcf: {  	v57 =	vor.u32 $0x3, v10;
	v11 =	vld.idx.msk [tilespmem:v56+s17+$0x0], $0xffff  }
0xd0: {  	v58 =	vor.u32 $0x4, v9;
	_ =	sdelay $0x3  }
0xd1: {  	[tilespmem:v57+s13+$0x0] =	vst.idx.add.f32.msk $0xffff, v11  }
0xd2: {  	v59 =	vor.u32 $0x4, v10;
	v11 =	vld.idx.msk [tilespmem:v58+s17+$0x0], $0xffff  }
0xd3: {  	v60 =	vor.u32 $0x5, v9;
	_ =	sdelay $0x3  }
0xd4: {  	[tilespmem:v59+s13+$0x0] =	vst.idx.add.f32.msk $0xffff, v11  }
0xd5: {  	v61 =	vor.u32 $0x5, v10;
	v11 =	vld.idx.msk [tilespmem:v60+s17+$0x0], $0xffff  }
0xd6: {  	v62 =	vor.u32 $0x6, v9;
	_ =	sdelay $0x3  }
0xd7: {  	[tilespmem:v61+s13+$0x0] =	vst.idx.add.f32.msk $0xffff, v11  }
0xd8: {  	v63 =	vor.u32 $0x6, v10;
	v11 =	vld.idx.msk [tilespmem:v62+s17+$0x0], $0xffff  }
0xd9: {  	v9 =	vor.u32 $0x7, v9;
	_ =	sdelay $0x3  }
0xda: {  	s26 =	sadd.s32 $0x1, s26;
	[tilespmem:v63+s13+$0x0] =	vst.idx.add.f32.msk $0xffff, v11  }
0xdb: {  	p0 =	sne.s32 s26, $0x13;
	v10 =	vor.u32 $0x7, v10;
	v9 =	vld.idx.msk [tilespmem:v9+s17+$0x0], $0xffff  }
.Ltmp2:
0xdc: {  	_ = 	snop;
	(pc) =	sbr.rel @p0 .LBB2_2-.Ltmp2, $2  }
0xdd: {  	_ =	sdelay $0x2  }
0xde: {  	[tilespmem:v10+s13+$0x0] =	vst.idx.add.f32.msk $0xffff, v9  }
0xdf: {  	s26 =	simm.s32 $0x0  }
0xe0: {  	[tilespmem:s26], [sflag:$0x5] =	stream.linear.gather [hbm4b:s7+s26], $0x80, $0x38;
	[tilespmem:$0x14E80] =	vst v63  }
0xe1: {  	_ =	swait.ge [sflag:s14], $0x80  }
0xe2: {  	[sflag:s14] =	ssyncset.done $0x0  }
0xe3: {  	[sflag:s14] =	ssyncadd.s32 $0xFFFFFF80  }
0xe4: {  	[tilespmem:s15], [sflag:$0x5] =	stream.linear.gather [hbm4b:s8+s26], $0x800, $0x38;
	[tilespmem:$0x14E80] =	vst v63  }
0xe5: {  	_ =	swait.ge [sflag:s14], $0x800  }
0xe6: {  	v9 =	vmov s26;
	[sflag:s14] =	ssyncset.done $0x0  }
0xe7: {  	v9 =	vshll.u32 v9, $0x4;
	[sflag:s14] =	ssyncadd.s32 $0xFFFFF800  }
0xe8: {  	v9 =	vor.u32 v0, v9;
	v10 =	vld [tilespmem:s26+$0x0];
	_ =	sdelay $0x4  }
0xe9: {  	v11 =	vld.idx.msk [tilespmem:v9+s15+$0x0], $0xffff;
	v10 =	vshll.u32 v10, $0x3  }
0xea: {  	v12 =	vor.u32 $0x1, v9;
	_ =	sdelay $0x3  }
0xeb: {  	[tilespmem:v10+s13+$0x0] =	vst.idx.add.f32.msk $0xffff, v11  }
0xec: {  	v54 =	vor.u32 $0x1, v10;
	v11 =	vld.idx.msk [tilespmem:v12+s15+$0x0], $0xffff  }
0xed: {  	v13 =	vor.u32 $0x2, v9;
	_ =	sdelay $0x3  }
0xee: {  	[tilespmem:v54+s13+$0x0] =	vst.idx.add.f32.msk $0xffff, v11  }
0xef: {  	v55 =	vor.u32 $0x2, v10;
	v11 =	vld.idx.msk [tilespmem:v13+s15+$0x0], $0xffff  }
0xf0: {  	v56 =	vor.u32 $0x3, v9;
	_ =	sdelay $0x3  }
0xf1: {  	[tilespmem:v55+s13+$0x0] =	vst.idx.add.f32.msk $0xffff, v11  }
0xf2: {  	v57 =	vor.u32 $0x3, v10;
	v11 =	vld.idx.msk [tilespmem:v56+s15+$0x0], $0xffff  }
0xf3: {  	v58 =	vor.u32 $0x4, v9;
	_ =	sdelay $0x3  }
0xf4: {  	[tilespmem:v57+s13+$0x0] =	vst.idx.add.f32.msk $0xffff, v11  }
0xf5: {  	v59 =	vor.u32 $0x4, v10;
	v11 =	vld.idx.msk [tilespmem:v58+s15+$0x0], $0xffff  }
0xf6: {  	v60 =	vor.u32 $0x5, v9;
	_ =	sdelay $0x3  }
0xf7: {  	[tilespmem:v59+s13+$0x0] =	vst.idx.add.f32.msk $0xffff, v11  }
0xf8: {  	v61 =	vor.u32 $0x5, v10;
	v11 =	vld.idx.msk [tilespmem:v60+s15+$0x0], $0xffff  }
0xf9: {  	v62 =	vor.u32 $0x6, v9;
	_ =	sdelay $0x3  }
0xfa: {  	[tilespmem:v61+s13+$0x0] =	vst.idx.add.f32.msk $0xffff, v11  }
0xfb: {  	v63 =	vor.u32 $0x6, v10;
	v11 =	vld.idx.msk [tilespmem:v62+s15+$0x0], $0xffff  }
0xfc: {  	v9 =	vor.u32 $0x7, v9;
	_ =	sdelay $0x3  }
0xfd: {  	[tilespmem:v63+s13+$0x0] =	vst.idx.add.f32.msk $0xffff, v11  }
0xfe: {  	v10 =	vor.u32 $0x7, v10;
	v9 =	vld.idx.msk [tilespmem:v9+s15+$0x0], $0xffff  }
0xff: {  	s28 =	simm.s32 $0x10  }
0x100: {  	v11 =	vmov s28  }
0x101: {  	s28 =	simm.s32 $0x20;
	v11 =	vshll.u32 v11, $0x4  }
.LBB2_8:
0x102: {  	p0 =	sne.s32 s28, $0x70  }
0x103: {  	v11 =	vor.u32 v0, v11;
	[tilespmem:v10+s13+$0x0] =	vst.idx.add.f32.msk $0xffff, v9;
	s26 =	sadd.s32 $0x10, s26;
	s29 =	smov.u32 s28;
	s28 =	sadd.s32 $0x10, s28  }
0x104: {  	v9 =	vld [tilespmem:s26+$0x0];
	_ =	sdelay $0x3  }
0x105: {  	v10 =	vld.idx.msk [tilespmem:v11+s15+$0x0], $0xffff  }
0x106: {  	v12 =	vshll.u32 v9, $0x3  }
0x107: {  	v9 =	vor.u32 $0x1, v11;
	_ =	sdelay $0x3  }
0x108: {  	[tilespmem:v12+s13+$0x0] =	vst.idx.add.f32.msk $0xffff, v10  }
0x109: {  	v9 =	vld.idx.msk [tilespmem:v9+s15+$0x0], $0xffff  }
0x10a: {  	v10 =	vor.u32 $0x1, v12  }
0x10b: {  	v13 =	vor.u32 $0x2, v11;
	_ =	sdelay $0x3  }
0x10c: {  	[tilespmem:v10+s13+$0x0] =	vst.idx.add.f32.msk $0xffff, v9  }
0x10d: {  	v9 =	vld.idx.msk [tilespmem:v13+s15+$0x0], $0xffff  }
0x10e: {  	v10 =	vor.u32 $0x2, v12  }
0x10f: {  	v13 =	vor.u32 $0x3, v11;
	_ =	sdelay $0x3  }
0x110: {  	[tilespmem:v10+s13+$0x0] =	vst.idx.add.f32.msk $0xffff, v9  }
0x111: {  	v9 =	vld.idx.msk [tilespmem:v13+s15+$0x0], $0xffff  }
0x112: {  	v10 =	vor.u32 $0x3, v12  }
0x113: {  	v13 =	vor.u32 $0x4, v11;
	_ =	sdelay $0x3  }
0x114: {  	[tilespmem:v10+s13+$0x0] =	vst.idx.add.f32.msk $0xffff, v9  }
0x115: {  	v9 =	vld.idx.msk [tilespmem:v13+s15+$0x0], $0xffff  }
0x116: {  	v10 =	vor.u32 $0x4, v12  }
0x117: {  	v13 =	vor.u32 $0x5, v11;
	_ =	sdelay $0x3  }
0x118: {  	[tilespmem:v10+s13+$0x0] =	vst.idx.add.f32.msk $0xffff, v9  }
0x119: {  	v9 =	vld.idx.msk [tilespmem:v13+s15+$0x0], $0xffff  }
0x11a: {  	v10 =	vor.u32 $0x5, v12  }
0x11b: {  	v13 =	vor.u32 $0x6, v11;
	_ =	sdelay $0x3  }
0x11c: {  	[tilespmem:v10+s13+$0x0] =	vst.idx.add.f32.msk $0xffff, v9  }
0x11d: {  	v9 =	vld.idx.msk [tilespmem:v13+s15+$0x0], $0xffff  }
0x11e: {  	v10 =	vor.u32 $0x6, v12  }
0x11f: {  	v11 =	vor.u32 $0x7, v11;
	_ =	sdelay $0x3  }
0x120: {  	[tilespmem:v10+s13+$0x0] =	vst.idx.add.f32.msk $0xffff, v9  }
0x121: {  	v9 =	vld.idx.msk [tilespmem:v11+s15+$0x0], $0xffff  }
.Ltmp3:
0x122: {  	v10 =	vor.u32 $0x7, v12;
	(pc) =	sbr.rel @p0 .LBB2_8-.Ltmp3, $3  }
0x123: {  	_ =	sdelay $0x1  }
0x124: {  	v11 =	vmov s29  }
0x125: {  	v11 =	vshll.u32 v11, $0x4  }
0x126: {  	_ =	sdelay $0x3  }
0x127: {  	[tilespmem:v10+s13+$0x0] =	vst.idx.add.f32.msk $0xffff, v9;
	s26 =	sadd.s32 $0x10, s26  }
0x128: {  	v9 =	vor.u32 v0, v11;
	v10 =	vld [tilespmem:s26+$0x0];
	_ =	sdelay $0x4  }
0x129: {  	v11 =	vld.idx.msk [tilespmem:v9+s15+$0x0], $0xffff;
	v10 =	vshll.u32 v10, $0x3  }
0x12a: {  	v12 =	vor.u32 $0x1, v9;
	_ =	sdelay $0x3  }
0x12b: {  	[tilespmem:v10+s13+$0x0] =	vst.idx.add.f32.msk $0xffff, v11  }
0x12c: {  	v54 =	vor.u32 $0x1, v10;
	v11 =	vld.idx.msk [tilespmem:v12+s15+$0x0], $0xffff  }
0x12d: {  	v13 =	vor.u32 $0x2, v9;
	_ =	sdelay $0x3  }
0x12e: {  	[tilespmem:v54+s13+$0x0] =	vst.idx.add.f32.msk $0xffff, v11  }
0x12f: {  	v55 =	vor.u32 $0x2, v10;
	v11 =	vld.idx.msk [tilespmem:v13+s15+$0x0], $0xffff  }
0x130: {  	v56 =	vor.u32 $0x3, v9;
	_ =	sdelay $0x3  }
0x131: {  	[tilespmem:v55+s13+$0x0] =	vst.idx.add.f32.msk $0xffff, v11  }
0x132: {  	v57 =	vor.u32 $0x3, v10;
	v11 =	vld.idx.msk [tilespmem:v56+s15+$0x0], $0xffff  }
0x133: {  	v58 =	vor.u32 $0x4, v9;
	_ =	sdelay $0x3  }
0x134: {  	[tilespmem:v57+s13+$0x0] =	vst.idx.add.f32.msk $0xffff, v11  }
0x135: {  	v59 =	vor.u32 $0x4, v10;
	v11 =	vld.idx.msk [tilespmem:v58+s15+$0x0], $0xffff  }
0x136: {  	v60 =	vor.u32 $0x5, v9;
	_ =	sdelay $0x3  }
0x137: {  	[tilespmem:v59+s13+$0x0] =	vst.idx.add.f32.msk $0xffff, v11  }
0x138: {  	v61 =	vor.u32 $0x5, v10;
	v11 =	vld.idx.msk [tilespmem:v60+s15+$0x0], $0xffff  }
0x139: {  	v62 =	vor.u32 $0x6, v9;
	_ =	sdelay $0x3  }
0x13a: {  	[tilespmem:v61+s13+$0x0] =	vst.idx.add.f32.msk $0xffff, v11  }
0x13b: {  	v63 =	vor.u32 $0x6, v10;
	v11 =	vld.idx.msk [tilespmem:v62+s15+$0x0], $0xffff  }
0x13c: {  	v9 =	vor.u32 $0x7, v9;
	_ =	sdelay $0x3  }
0x13d: {  	[tilespmem:v63+s13+$0x0] =	vst.idx.add.f32.msk $0xffff, v11  }
0x13e: {  	v10 =	vor.u32 $0x7, v10;
	v9 =	vld.idx.msk [tilespmem:v9+s15+$0x0], $0xffff;
	_ =	sdelay $0x4  }
0x13f: {  	[tilespmem:v10+s13+$0x0] =	vst.idx.add.f32.msk $0xffff, v9  }
0x140: {  	[tilespmem:$0x1100] =	vst v1  }
0x141: {  	[tilespmem:s22], [sflag:$0x5] =	stream.linear.gather [hbm4b:s9+s3], $0x8, $0x38;
	[tilespmem:$0x14E80] =	vst v63  }
0x142: {  	_ =	swait.ge [sflag:s14], $0x8  }
0x143: {  	[sflag:s14] =	ssyncset.done $0x0  }
0x144: {  	[sflag:s14] =	ssyncadd.s32 $0xFFFFFFF8  }
0x145: {  	[tilespmem:s23], [sflag:$0x5] =	stream.linear.gather [hbm4b:s10+s3], $0x80, $0x38;
	[tilespmem:$0x14E80] =	vst v63  }
0x146: {  	_ =	swait.ge [sflag:s14], $0x80  }
0x147: {  	[sflag:s14] =	ssyncset.done $0x0  }
0x148: {  	[sflag:s14] =	ssyncadd.s32 $0xFFFFFF80  }
0x149: {  	v9 =	vld [tilespmem:$0x1100];
	_ =	sdelay $0x4  }
0x14a: {  	v10 =	vld.idx.msk [tilespmem:v0+s23+$0x0], $0xffff;
	v9 =	vshll.u32 v9, $0x3;
	_ =	sdelay $0x4  }
0x14b: {  	[tilespmem:v9+s13+$0x0] =	vst.idx.add.f32.msk $0xff, v10  }
0x14c: {  	v11 =	vor.u32 $0x1, v9;
	v10 =	vld.idx.msk [tilespmem:v2+s23+$0x0], $0xffff;
	_ =	sdelay $0x4  }
0x14d: {  	[tilespmem:v11+s13+$0x0] =	vst.idx.add.f32.msk $0xff, v10  }
0x14e: {  	v11 =	vor.u32 $0x2, v9;
	v10 =	vld.idx.msk [tilespmem:v3+s23+$0x0], $0xffff;
	_ =	sdelay $0x4  }
0x14f: {  	[tilespmem:v11+s13+$0x0] =	vst.idx.add.f32.msk $0xff, v10  }
0x150: {  	v11 =	vor.u32 $0x3, v9;
	v10 =	vld.idx.msk [tilespmem:v4+s23+$0x0], $0xffff;
	_ =	sdelay $0x4  }
0x151: {  	[tilespmem:v11+s13+$0x0] =	vst.idx.add.f32.msk $0xff, v10  }
0x152: {  	v11 =	vor.u32 $0x4, v9;
	v10 =	vld.idx.msk [tilespmem:v5+s23+$0x0], $0xffff;
	_ =	sdelay $0x4  }
0x153: {  	[tilespmem:v11+s13+$0x0] =	vst.idx.add.f32.msk $0xff, v10  }
0x154: {  	v11 =	vor.u32 $0x5, v9;
	v10 =	vld.idx.msk [tilespmem:v6+s23+$0x0], $0xffff;
	_ =	sdelay $0x4  }
0x155: {  	[tilespmem:v11+s13+$0x0] =	vst.idx.add.f32.msk $0xff, v10  }
0x156: {  	v11 =	vor.u32 $0x6, v9;
	v10 =	vld.idx.msk [tilespmem:v7+s23+$0x0], $0xffff;
	_ =	sdelay $0x4  }
0x157: {  	[tilespmem:v11+s13+$0x0] =	vst.idx.add.f32.msk $0xff, v10  }
0x158: {  	v9 =	vor.u32 $0x7, v9;
	v10 =	vld.idx.msk [tilespmem:v8+s23+$0x0], $0xffff;
	_ =	sdelay $0x2  }
0x159: {  	s25 =	sadd.s32 $0x1, s25  }
0x15a: {  	p0 =	sne.s32 s25, s12  }
.Ltmp4:
0x15b: {  	[tilespmem:v9+s13+$0x0] =	vst.idx.add.f32.msk $0xff, v10;
	(pc) =	sbr.rel @p0 .LBB2_1-.Ltmp4, $4  }
0x15c: {  	[hbm4b:s11+s16] =	stream.strided.scatter [tilespmem:s13], [sflag:$0x5], $0x13C00, s24, s16, $0x38;
	[tilespmem:$0x14E80] =	vst v63  }
0x15d: {  	_ =	swait.ge [sflag:s14], $0x13C00  }
0x15e: {  	[sflag:s14] =	ssyncset.done $0x0  }
0x15f: {  	[sflag:s14] =	ssyncadd.s32 $0xFFFEC400  }
0x160: {  	_ =	sfence.sel $0x180000  }
0x161: {  	[bflag:$0x0] =	sbarrier.arrive $0xFFFF  }
0x162: {  	p0 =	sne.s32 s0, $0x0;
	_ =	strace $0x9000004A  }
0x163: {  	s0 =	sadd.s32 @!p0 $0x100000, s1;
	[bflag:$0x2] =	sbarrier.arrive $0xFFFF  }
0x164: {  	[sflag:s0] =	ssyncadd.tile.s32 @!p0 $0x1;
	_ =	shalt  }
.Lfunc_end2:
_tile_overlayer_lowered:
.L_overlay_start_2:
0x165: {  	(tag) =	ssettag $0x2  }
0x166: {  	s0 =	rddreg [dreg:$0x0];
	s2 =	stileid.u32  }
0x167: {  	s1 =	rddreg [dreg:$0x1];
	p0 =	sne.s32 s2, $0x0  }
0x168: {  	s3 =	rddreg [dreg:$0x2];
	[bflag:$0x3] =	sbarrier.arrive $0xFFFF;
	s2 =	simm.s32 @!p0 $0x1C05  }
0x169: {  	[timem:s3], [sflag:s2] =	dma.local @!p0 [hbm:s0], s1  }
0x16a: {  	s0 =	simm.s32 @!p0 $0x5  }
0x16b: {  	_ =	swait.ge @!p0 [sflag:s0], s1  }
0x16c: {  	s1 =	ssub.s32 @!p0 $0x0, s1;
	[sflag:s0] =	ssyncset.done @!p0 $0x0  }
0x16d: {  	[sflag:s0] =	ssyncadd.s32 @!p0 s1  }
0x16e: {  	[bflag:$0x3] =	sbarrier.arrive $0xFFFF  }
0x16f: {  	_ =	shalt  }

</sc_bundles>
